<compile_context>
chip_gen: v7x
topology: tpu7x:2x2x1
jax: 0.10.2.dev20260603
libtpu: 0.0.44.dev20260713+nightly
codegen_flags: <defaults>
</compile_context>

<pallas_src>
import functools

import jax
import jax.numpy as jnp
import numpy as np
from jax import lax
from jax.experimental import pallas as pl
from jax.experimental.pallas import tpu as pltpu
from jax.experimental.pallas import tpu_sc as plsc

_B = 8
_D = 64
_K = 1024
_H = 56


def _pad_end(x, n=1):
    return jnp.pad(x, ((0, n), (0, n), (0, 0)))


def _pad_begin(x, n=1):
    return jnp.pad(x, ((n, 0), (n, 0), (0, 0)))




def _enc_body(x_ref, w1_ref, b1_ref, w2_ref, b2_ref, w3_ref, b3_ref,
              cbt_ref, c2_ref, o_ref, qz_ref):
    n = _H * _H
    x = _pad_end(x_ref[0])
    acc = jnp.zeros((n, 64), jnp.float32)
    for t, (oy, ox) in enumerate(((0, 0), (0, 1), (1, 0), (1, 1))):
        xs = x[oy:oy + _H, ox:ox + _H, :].reshape(n, 16)
        acc = acc + jnp.dot(xs, w1_ref[t], preferred_element_type=jnp.float32)
    s1 = jnp.maximum(acc + b1_ref[0], 0.0).reshape(_H, _H, 64)
    s1p = _pad_end(s1)
    acc = jnp.zeros((n, 32), jnp.float32)
    for t, (oy, ox) in enumerate(((0, 0), (0, 1), (1, 0), (1, 1))):
        xs = s1p[oy:oy + _H, ox:ox + _H, :].reshape(n, 64)
        acc = acc + jnp.dot(xs, w2_ref[t], preferred_element_type=jnp.float32)
    s2 = jnp.maximum(acc + b2_ref[0], 0.0).reshape(_H, _H, 32)
    s2p = jnp.pad(s2, ((1, 1), (1, 1), (0, 0)))
    acc = jnp.zeros((n, 64), jnp.float32)
    for t in range(9):
        dy, dx = divmod(t, 3)
        xs = s2p[dy:dy + _H, dx:dx + _H, :].reshape(n, 32)
        acc = acc + jnp.dot(xs, w3_ref[t], preferred_element_type=jnp.float32)
    ze = acc + b3_ref[0]
    o_ref[0] = ze.reshape(_H, _H, 64)
    nc = n // 4
    for c in range(4):
        zc = ze[c * nc:(c + 1) * nc]
        s = c2_ref[...] - 2.0 * jnp.dot(zc, cbt_ref[...],
                                        preferred_element_type=jnp.float32)
        m = jnp.min(s, axis=1, keepdims=True)
        lane = lax.broadcasted_iota(jnp.int32, s.shape, 1)
        qz_ref[0, 0, c * nc:(c + 1) * nc] = jnp.min(
            jnp.where(s == m, lane, _K), axis=1)


def _encoder(x16, w1, b1, w2, b2, w3, b3, cbt, c2):
    return pl.pallas_call(
        _enc_body,
        grid=(_B,),
        in_specs=[
            pl.BlockSpec((1, _H, _H, 16), lambda bi: (bi, 0, 0, 0)),
            pl.BlockSpec((4, 16, 64), lambda bi: (0, 0, 0)),
            pl.BlockSpec((1, 64), lambda bi: (0, 0)),
            pl.BlockSpec((4, 64, 32), lambda bi: (0, 0, 0)),
            pl.BlockSpec((1, 32), lambda bi: (0, 0)),
            pl.BlockSpec((9, 32, 64), lambda bi: (0, 0, 0)),
            pl.BlockSpec((1, 64), lambda bi: (0, 0)),
            pl.BlockSpec((_D, _K), lambda bi: (0, 0)),
            pl.BlockSpec((1, _K), lambda bi: (0, 0)),
        ],
        out_specs=[
            pl.BlockSpec((1, _H, _H, 64), lambda bi: (bi, 0, 0, 0)),
            pl.BlockSpec((1, 1, _H * _H), lambda bi: (bi, 0, 0)),
        ],
        out_shape=[
            jax.ShapeDtypeStruct((_B, _H, _H, 64), jnp.float32),
            jax.ShapeDtypeStruct((_B, 1, _H * _H), jnp.int32),
        ],
    )(x16, w1, b1, w2, b2, w3, b3, cbt, c2)



_DEC_TAPS = (
    ((0, 0, 0), (0, 1, 2), (1, 0, 6), (1, 1, 8)),
    ((0, 1, 1), (1, 1, 7)),
    ((1, 0, 3), (1, 1, 5)),
    ((1, 1, 4),),
)

_D2_ROW = (
    ((1, 0, 0), (0, 2, 1)),
    ((0, 1, 1),),
    ((0, 0, 1), (1, 2, 1)),
    ((1, 1, 1),),
)


def _dec_body(ze_ref, zq_ref, w1_ref, b1_ref, w2_ref, b2_ref, w3_ref, b3_ref,
              o_ref, zqo_ref):
    n = _H * _H
    ze = ze_ref[0]
    zq = zq_ref[0][:, :, :_D]
    zqo_ref[0] = zq
    x = ze + (zq - ze)
    xp = _pad_begin(x)
    acc = jnp.zeros((n, 128), jnp.float32)
    for t in range(4):
        dy, dx = divmod(t, 2)
        xs = xp[dy:dy + _H, dx:dx + _H, :].reshape(n, 64)
        acc = acc + jnp.dot(xs, w1_ref[t], preferred_element_type=jnp.float32)
    g = jnp.maximum(acc + b1_ref[0], 0.0).reshape(_H, _H, 128)
    gp = _pad_begin(g)
    acc = jnp.zeros((n, 256), jnp.float32)
    for t in range(4):
        dy, dx = divmod(t, 2)
        xs = gp[dy:dy + _H, dx:dx + _H, :].reshape(n, 128)
        acc = acc + jnp.dot(xs, w2_ref[t], preferred_element_type=jnp.float32)
    z2 = jnp.maximum(acc + b2_ref[0], 0.0).reshape(_H, _H, 256)
    z2p = jnp.pad(z2, ((1, 1), (1, 1), (0, 0)))
    acc = jnp.zeros((n, 16), jnp.float32)
    for t in range(9):
        sy, sx = divmod(t, 3)
        xs = z2p[sy:sy + _H, sx:sx + _H, :].reshape(n, 256)
        acc = acc + jnp.dot(xs, w3_ref[t], preferred_element_type=jnp.float32)
    o_ref[0] = (acc + b3_ref[0]).reshape(_H, _H, 16)


def _decoder(ze, zq, w1, b1, w2, b2, w3, b3):
    return pl.pallas_call(
        _dec_body,
        grid=(_B,),
        in_specs=[
            pl.BlockSpec((1, _H, _H, 64), lambda bi: (bi, 0, 0, 0)),
            pl.BlockSpec((1, _H, _H, 128), lambda bi: (bi, 0, 0, 0)),
            pl.BlockSpec((4, 64, 128), lambda bi: (0, 0, 0)),
            pl.BlockSpec((1, 128), lambda bi: (0, 0)),
            pl.BlockSpec((4, 128, 256), lambda bi: (0, 0, 0)),
            pl.BlockSpec((1, 256), lambda bi: (0, 0)),
            pl.BlockSpec((9, 256, 16), lambda bi: (0, 0, 0)),
            pl.BlockSpec((1, 16), lambda bi: (0, 0)),
        ],
        out_specs=[
            pl.BlockSpec((1, _H, _H, 16), lambda bi: (bi, 0, 0, 0)),
            pl.BlockSpec((1, _H, _H, _D), lambda bi: (bi, 0, 0, 0)),
        ],
        out_shape=[
            jax.ShapeDtypeStruct((_B, _H, _H, 16), jnp.float32),
            jax.ShapeDtypeStruct((_B, _H, _H, _D), jnp.float32),
        ],
    )(ze, zq, w1, b1, w2, b2, w3, b3)


_ROWS = _B * _H * _H



_NC, _NS = 2, 16
_NW = _NC * _NS
_RPW = _ROWS // _NW


def _sc_gather_body(idx_hbm, table_hbm, out_hbm, idx_v, rows_v, tbl_sh, sem):
    s = lax.axis_index("s")
    wid = s * _NC + lax.axis_index("c")
    base = wid * _RPW
    pltpu.sync_copy(idx_hbm.at[pl.ds(base, _RPW)], idx_v)

    @pl.when(s == 0)
    def _stage_table():
        pltpu.sync_copy(table_hbm, tbl_sh)

    plsc.subcore_barrier()
    pltpu.async_copy(tbl_sh.at[idx_v], rows_v, sem).wait()
    pltpu.sync_copy(rows_v, out_hbm.at[pl.ds(base, _RPW)])


def _sc_gather(idx, table128):
    mesh = plsc.VectorSubcoreMesh(core_axis_name="c", subcore_axis_name="s")
    f = functools.partial(
        pl.kernel,
        mesh=mesh,
        out_type=jax.ShapeDtypeStruct((_ROWS, 128), jnp.float32),
        scratch_types=[
            pltpu.VMEM((_RPW,), jnp.int32),
            pltpu.VMEM((_RPW, 128), jnp.float32),
            pltpu.VMEM_SHARED((_K, 128), jnp.float32),
            pltpu.SemaphoreType.DMA,
        ],
    )(_sc_gather_body)
    return f(idx, table128)




def _s2d16(x):
    return (x.reshape(_B, _H, 4, _H, 4)
            .transpose(0, 1, 3, 2, 4)
            .reshape(_B, _H, _H, 16))


def _np_enc1_sel():
    T = np.zeros((2, 2, 16, 4, 9), np.float32)
    for p in range(2):
        for dy in range(3):
            oy, ry = divmod(2 * p + dy, 4)
            for q in range(2):
                for dx in range(3):
                    ox, rx = divmod(2 * q + dx, 4)
                    T[oy, ox, 4 * ry + rx, 2 * p + q, 3 * dy + dx] = 1.0
    return T.reshape(4, 16, 4, 9)


_ENC1_SEL = _np_enc1_sel()


def _enc1_weight(w):
    w1 = jnp.einsum('tiPk,kc->tiPc', _ENC1_SEL, w.reshape(9, 16))
    return w1.reshape(4, 16, 64)


def _np_dec1_sel():
    S = np.zeros((2, 2, 9, 4), np.float32)
    for p, taps in enumerate(_DEC_TAPS):
        for (dy, dx, k) in taps:
            S[dy, dx, k, p] = 1.0
    return S.reshape(4, 9, 4)


def _np_dec2_sel():
    U = np.zeros((2, 2, 4, 16, 9), np.float32)
    for ry in range(4):
        for (py, ky, oy) in _D2_ROW[ry]:
            for rx in range(4):
                for (px, kx, ox) in _D2_ROW[rx]:
                    U[oy, ox, 2 * py + px, 4 * ry + rx, 3 * ky + kx] = 1.0
    return U.reshape(4, 4, 16, 9)


def _np_dec3_sel():
    V = np.zeros((3, 3, 16, 16, 9), np.float32)
    for ry in range(4):
        for ky in range(3):
            sy, py = divmod(ry + ky - 1, 4)
            for rx in range(4):
                for kx in range(3):
                    sx, px = divmod(rx + kx - 1, 4)
                    V[sy + 1, sx + 1, 4 * py + px, 4 * ry + rx,
                      3 * ky + kx] = 1.0
    return V.reshape(9, 16, 16, 9)


_DEC1_SEL = _np_dec1_sel()
_DEC2_SEL = _np_dec2_sel()
_DEC3_SEL = _np_dec3_sel()


def _dec1_weight(w):
    C = jnp.einsum('tkp,kcd->tcpd', _DEC1_SEL, w.reshape(9, 64, 32))
    return C.reshape(4, 64, 128)


def _dec2_weight(w):
    Bm = jnp.einsum('tiok,kcd->ticod', _DEC2_SEL, w.reshape(9, 32, 16))
    return Bm.reshape(4, 128, 256)


def _dec3_weight(w):
    A = jnp.einsum('siok,kc->sico', _DEC3_SEL, w.reshape(9, 16))
    return A.reshape(9, 256, 16)


def _s2d_weight(w):
    _, _, ci, co = w.shape
    wp = jnp.pad(w, ((0, 1), (0, 1), (0, 0), (0, 0)))
    w4 = wp.reshape(2, 2, 2, 2, ci, co).transpose(0, 2, 1, 3, 4, 5)
    return w4.reshape(4, 4 * ci, co)


def kernel(inputs, enc_w1, enc_b1, enc_w2, enc_b2, enc_w3, enc_b3, codebook,
           dec_w1, dec_b1, dec_w2, dec_b2, dec_w3, dec_b3):
    x16 = _s2d16(inputs)
    cbt = codebook.T
    c2 = jnp.sum(codebook * codebook, axis=1)[None, :]
    z_e, qz = _encoder(x16, _enc1_weight(enc_w1), jnp.tile(enc_b1, 4)[None],
                       _s2d_weight(enc_w2), enc_b2[None],
                       enc_w3.reshape(9, 32, 64), enc_b3[None], cbt, c2)
    qzf = qz.reshape(_ROWS)
    q_z = qzf.reshape(_B, _H, _H)
    cb128 = jnp.pad(codebook, ((0, 0), (0, 128 - _D)))
    zq_f = _sc_gather(qzf, cb128)
    zq128 = zq_f.reshape(_B, _H, _H, 128)

    ph, z_q = _decoder(z_e, zq128, _dec1_weight(dec_w1),
                       jnp.tile(dec_b1, 4)[None],
                       _dec2_weight(dec_w2), jnp.tile(dec_b2, 16)[None],
                       _dec3_weight(dec_w3), jnp.tile(dec_b3, 16)[None])
    logits = (ph.reshape(_B, _H, _H, 4, 4)
              .transpose(0, 1, 3, 2, 4)
              .reshape(_B, 224, 224, 1))
    return (logits, z_e, z_q, q_z)

# --- scband reference (transcript-rebuilt; emitter-appended) ---
"""Pipeline reference for scband-vqvae-57526791962808 (READ-ONLY COPY).

The authoritative reference and input builder live on the scoring server;
editing this copy changes nothing except your own understanding.
"""

import jax, jax.numpy as jnp
import numpy as np

D = 64
K = 1024


def _glorot(key, shape):
    if len(shape) == 4:
        rf = shape[0] * shape[1]
        fan_in = rf * shape[2]
        fan_out = rf * shape[3]
    else:
        fan_in, fan_out = shape[0], shape[1]
    lim = (6.0 / (fan_in + fan_out)) ** 0.5
    return jax.random.uniform(key, shape, jnp.float32, -lim, lim)


def _conv(x, w, b, stride):
    y = jax.lax.conv_general_dilated(x, w, (stride, stride), 'SAME',
                                     dimension_numbers=('NHWC', 'HWIO', 'NHWC'))
    return y + b


def _convT(x, w, b, stride):
    y = jax.lax.conv_transpose(x, w, (stride, stride), 'SAME',
                               dimension_numbers=('NHWC', 'HWIO', 'NHWC'))
    return y + b


def setup_inputs(seed: int = 0) -> dict:
    key = jax.random.key(seed)
    ks = jax.random.split(key, 14)
    inp = {}
    inp['inputs'] = jax.random.normal(ks[0], (8, 224, 224, 1), dtype=jnp.float32)
    inp['enc_w1'] = _glorot(ks[1], (3, 3, 1, 16)); inp['enc_b1'] = jnp.zeros((16,), jnp.float32)
    inp['enc_w2'] = _glorot(ks[2], (3, 3, 16, 32)); inp['enc_b2'] = jnp.zeros((32,), jnp.float32)
    inp['enc_w3'] = _glorot(ks[3], (3, 3, 32, D)); inp['enc_b3'] = jnp.zeros((D,), jnp.float32)
    inp['codebook'] = _glorot(ks[4], (K, D))
    inp['dec_w1'] = _glorot(ks[5], (3, 3, D, 32)); inp['dec_b1'] = jnp.zeros((32,), jnp.float32)
    inp['dec_w2'] = _glorot(ks[6], (3, 3, 32, 16)); inp['dec_b2'] = jnp.zeros((16,), jnp.float32)
    inp['dec_w3'] = _glorot(ks[7], (3, 3, 16, 1)); inp['dec_b3'] = jnp.zeros((1,), jnp.float32)
    return inp


def reference(inputs, enc_w1, enc_b1, enc_w2, enc_b2, enc_w3, enc_b3,
              codebook, dec_w1, dec_b1, dec_w2, dec_b2, dec_w3, dec_b3):
    # Encoder
    h = jax.nn.relu(_conv(inputs, enc_w1, enc_b1, 2))
    h = jax.nn.relu(_conv(h, enc_w2, enc_b2, 2))
    z_e = _conv(h, enc_w3, enc_b3, 1)  # [B, 56, 56, D]
    # Vector quantization: argmin_k ||z_e - codebook_k|| (argmin of L2 norm ==
    # argmin of squared distance, expanded to avoid materializing [B,H,W,K,D])
    z_e_sg = jax.lax.stop_gradient(z_e)
    flat = z_e_sg.reshape(-1, D)
    d2 = (jnp.sum(flat * flat, axis=1, keepdims=True)
          - 2.0 * flat @ codebook.T
          + jnp.sum(codebook * codebook, axis=1)[None, :])
    q_z = jnp.argmin(d2, axis=1).reshape(z_e.shape[:-1])  # [B, 56, 56] int
    # sample: one-hot weighted sum over codebook == gather
    z_q = jnp.take(codebook, q_z, axis=0)  # [B, 56, 56, D]
    # straight-through estimator
    z_q_sg = z_e + jax.lax.stop_gradient(z_q - z_e)
    # Decoder
    g = jax.nn.relu(_convT(z_q_sg, dec_w1, dec_b1, 2))
    g = jax.nn.relu(_convT(g, dec_w2, dec_b2, 2))
    logits = _convT(g, dec_w3, dec_b3, 1)  # [B, 224, 224, 1]
    return (logits, z_e, z_q, q_z)

if __name__ == "__main__":
    import jax
    _d = setup_inputs()
    print(jax.jit(kernel)(*tuple(_d.values())))

</pallas_src>

<mosaic_0001>
#map = affine_map<(d0, d1) -> (0)>
#map1 = affine_map<(d0, d1) -> (0, 0)>
module attributes {stable_mosaic.version = 14 : i64} {
  func.func @_sc_gather_body(%arg0: i32, %arg1: i32, %arg2: memref<25088xi32, #tpu.memory_space<hbm>>, %arg3: memref<1024x128xf32, #tpu.memory_space<hbm>>, %arg4: memref<25088x128xf32, #tpu.memory_space<hbm>>, %arg5: memref<784xi32, #tpu.memory_space<vmem>>, %arg6: memref<784x128xf32, #tpu.memory_space<vmem>>, %arg7: memref<1024x128xf32, #tpu.memory_space<vmem_shared>>, %arg8: memref<!tpu.dma_semaphore, #tpu.memory_space<semaphore_mem>>) attributes {dimension_semantics = [#tpu.dimension_semantics<core_parallel>, #tpu.dimension_semantics<subcore_parallel>], iteration_bounds = array<i64: 2, 16>, scalar_prefetch = 0 : i64, scratch_operands = 4 : i64, tpu.core_type = #tpu.core_type<sc_vector_subcore>, window_params = [{transform_indices = #map}, {transform_indices = #map1}, {transform_indices = #map1}]} {
    %mul3A = arith.constant 2 : i32
    %mul3A_0 = arith.muli %arg1, %mul3A : i32
    %add3A = arith.addi %mul3A_0, %arg0 : i32
    %mul3A_1 = arith.constant 784 : i32
    %mul3A_2 = arith.muli %add3A, %mul3A_1 : i32
    "tpu.region"() ({
      %run_scoped3A = tpu.sem_alloc : memref<!tpu.dma_semaphore, #tpu.memory_space<semaphore_mem>>
      %dma_start3A_9 = tpu.memref_slice %arg2[%mul3A_2] : memref<25088xi32, #tpu.memory_space<hbm>> -> memref<784xi32, #tpu.memory_space<hbm>>
      %dma_start3A_10 = tpu.memref_slice %arg2[%mul3A_2] : memref<25088xi32, #tpu.memory_space<hbm>> -> memref<784xi32, #tpu.memory_space<hbm>>
      tpu.enqueue_dma source(%dma_start3A_10 : memref<784xi32, #tpu.memory_space<hbm>>) target(%arg5 : memref<784xi32, #tpu.memory_space<vmem>>) target_semaphore(%run_scoped3A : memref<!tpu.dma_semaphore, #tpu.memory_space<semaphore_mem>>)
      %dma_wait3A_11 = tpu.memref_slice %arg2[%mul3A_2] : memref<25088xi32, #tpu.memory_space<hbm>> -> memref<784xi32, #tpu.memory_space<hbm>>
      %dma_wait3A_12 = tpu.memref_slice %arg2[%mul3A_2] : memref<25088xi32, #tpu.memory_space<hbm>> -> memref<784xi32, #tpu.memory_space<hbm>>
      tpu.wait_dma2 semaphore(%run_scoped3A : memref<!tpu.dma_semaphore, #tpu.memory_space<semaphore_mem>>) src(%dma_wait3A_12 : memref<784xi32, #tpu.memory_space<hbm>>) dst(%arg5 : memref<784xi32, #tpu.memory_space<vmem>>)
      tpu.yield
    }) : () -> ()
    %eq3A = arith.constant 0 : i32
    %eq3A_3 = arith.cmpi eq, %arg1, %eq3A : i32
    %convert_element_type3A = arith.extui %eq3A_3 : i1 to i32
    %cond3A = arith.constant 0 : i32
    %cond3A_4 = arith.cmpi ne, %convert_element_type3A, %cond3A : i32
    scf.if %cond3A_4 {
      "tpu.region"() ({
        %run_scoped3A = tpu.sem_alloc : memref<!tpu.dma_semaphore, #tpu.memory_space<semaphore_mem>>
        tpu.enqueue_dma source(%arg3 : memref<1024x128xf32, #tpu.memory_space<hbm>>) target(%arg7 : memref<1024x128xf32, #tpu.memory_space<vmem_shared>>) target_semaphore(%run_scoped3A : memref<!tpu.dma_semaphore, #tpu.memory_space<semaphore_mem>>)
        tpu.wait_dma2 semaphore(%run_scoped3A : memref<!tpu.dma_semaphore, #tpu.memory_space<semaphore_mem>>) src(%arg3 : memref<1024x128xf32, #tpu.memory_space<hbm>>) dst(%arg7 : memref<1024x128xf32, #tpu.memory_space<vmem_shared>>)
        tpu.yield
      }) : () -> ()
    } else {
    }
    %barrier3A = arith.constant 0 : index
    tpu.barrier barrier_id(%barrier3A)
    %dma_start3A = arith.constant 0 : i32
    %dma_start3A_5 = arith.constant 0 : i32
    %dma_start3A_6 = tpu.memref_slice %arg7[%dma_start3A, %dma_start3A_5] : memref<1024x128xf32, #tpu.memory_space<vmem_shared>> -> memref<1024x128xf32, #tpu.memory_space<vmem_shared>>
    tpu.enqueue_indirect_dma source(%dma_start3A_6 : memref<1024x128xf32, #tpu.memory_space<vmem_shared>>) target(%arg6 : memref<784x128xf32, #tpu.memory_space<vmem>>) offsets(%arg5 : memref<784xi32, #tpu.memory_space<vmem>>) semaphore(%arg8 : memref<!tpu.dma_semaphore, #tpu.memory_space<semaphore_mem>>)
    %dma_wait3A = arith.constant 0 : i32
    %dma_wait3A_7 = arith.constant 0 : i32
    %dma_wait3A_8 = tpu.memref_slice %arg7[%dma_wait3A, %dma_wait3A_7] : memref<1024x128xf32, #tpu.memory_space<vmem_shared>> -> memref<1024x128xf32, #tpu.memory_space<vmem_shared>>
    tpu.wait_indirect_dma semaphore(%arg8 : memref<!tpu.dma_semaphore, #tpu.memory_space<semaphore_mem>>) src(%dma_wait3A_8 : memref<1024x128xf32, #tpu.memory_space<vmem_shared>>) dst(%arg6 : memref<784x128xf32, #tpu.memory_space<vmem>>)
    "tpu.region"() ({
      %run_scoped3A = tpu.sem_alloc : memref<!tpu.dma_semaphore, #tpu.memory_space<semaphore_mem>>
      %dma_start3A_9 = arith.constant 0 : i32
      %dma_start3A_10 = tpu.memref_slice %arg4[%mul3A_2, %dma_start3A_9] : memref<25088x128xf32, #tpu.memory_space<hbm>> -> memref<784x128xf32, #tpu.memory_space<hbm>>
      %dma_start3A_11 = arith.constant 0 : i32
      %dma_start3A_12 = tpu.memref_slice %arg4[%mul3A_2, %dma_start3A_11] : memref<25088x128xf32, #tpu.memory_space<hbm>> -> memref<784x128xf32, #tpu.memory_space<hbm>>
      tpu.enqueue_dma source(%arg6 : memref<784x128xf32, #tpu.memory_space<vmem>>) target(%dma_start3A_12 : memref<784x128xf32, #tpu.memory_space<hbm>>) target_semaphore(%run_scoped3A : memref<!tpu.dma_semaphore, #tpu.memory_space<semaphore_mem>>)
      %dma_wait3A_13 = arith.constant 0 : i32
      %dma_wait3A_14 = tpu.memref_slice %arg4[%mul3A_2, %dma_wait3A_13] : memref<25088x128xf32, #tpu.memory_space<hbm>> -> memref<784x128xf32, #tpu.memory_space<hbm>>
      %dma_wait3A_15 = arith.constant 0 : i32
      %dma_wait3A_16 = tpu.memref_slice %arg4[%mul3A_2, %dma_wait3A_15] : memref<25088x128xf32, #tpu.memory_space<hbm>> -> memref<784x128xf32, #tpu.memory_space<hbm>>
      tpu.wait_dma2 semaphore(%run_scoped3A : memref<!tpu.dma_semaphore, #tpu.memory_space<semaphore_mem>>) src(%arg6 : memref<784x128xf32, #tpu.memory_space<vmem>>) dst(%dma_wait3A_16 : memref<784x128xf32, #tpu.memory_space<hbm>>)
      tpu.yield
    }) : () -> ()
    return
  }
}

module attributes {stable_mosaic.version = 14 : i64} {
  func.func @_enc_body(%arg0: i32, %arg1: memref<1x56x56x16xf32, #tpu.memory_space<vmem>>, %arg2: memref<4x16x64xf32, #tpu.memory_space<vmem>>, %arg3: memref<1x64xf32, #tpu.memory_space<vmem>>, %arg4: memref<4x64x32xf32, #tpu.memory_space<vmem>>, %arg5: memref<1x32xf32, #tpu.memory_space<vmem>>, %arg6: memref<9x32x64xf32, #tpu.memory_space<vmem>>, %arg7: memref<1x64xf32, #tpu.memory_space<vmem>>, %arg8: memref<64x1024xf32, #tpu.memory_space<vmem>>, %arg9: memref<1x1024xf32, #tpu.memory_space<vmem>>, %arg10: memref<1x56x56x64xf32, #tpu.memory_space<vmem>>, %arg11: memref<1x1x3136xi32, #tpu.memory_space<vmem>>) attributes {dimension_semantics = [#tpu.dimension_semantics<arbitrary>], iteration_bounds = array<i64: 8>, scalar_prefetch = 0 : i64, scratch_operands = 0 : i64, tpu.core_type = #tpu.core_type<tc>, window_params = [{transform_indices = @transform_0, window_bounds = array<i64: 1, 56, 56, 16>}, {pipeline_mode = #tpu.pipeline_mode<synchronous>, transform_indices = @transform_1, window_bounds = array<i64: 4, 16, 64>}, {pipeline_mode = #tpu.pipeline_mode<synchronous>, transform_indices = @transform_2, window_bounds = array<i64: 1, 64>}, {pipeline_mode = #tpu.pipeline_mode<synchronous>, transform_indices = @transform_3, window_bounds = array<i64: 4, 64, 32>}, {pipeline_mode = #tpu.pipeline_mode<synchronous>, transform_indices = @transform_4, window_bounds = array<i64: 1, 32>}, {pipeline_mode = #tpu.pipeline_mode<synchronous>, transform_indices = @transform_5, window_bounds = array<i64: 9, 32, 64>}, {pipeline_mode = #tpu.pipeline_mode<synchronous>, transform_indices = @transform_6, window_bounds = array<i64: 1, 64>}, {pipeline_mode = #tpu.pipeline_mode<synchronous>, transform_indices = @transform_7, window_bounds = array<i64: 64, 1024>}, {pipeline_mode = #tpu.pipeline_mode<synchronous>, transform_indices = @transform_8, window_bounds = array<i64: 1, 1024>}, {transform_indices = @transform_9, window_bounds = array<i64: 1, 56, 56, 64>}, {transform_indices = @transform_10, window_bounds = array<i64: 1, 1, 3136>}]} {
    %get3A = arith.constant 0 : index
    %get3A_0 = arith.constant 0 : index
    %get3A_1 = arith.constant 0 : index
    %get3A_2 = arith.constant 0 : index
    %get3A_3 = vector.load %arg1[%get3A, %get3A_0, %get3A_1, %get3A_2] : memref<1x56x56x16xf32, #tpu.memory_space<vmem>>, vector<1x56x56x16xf32>
    %get3A_4 = vector.shape_cast %get3A_3 : vector<1x56x56x16xf32> to vector<56x56x16xf32>
    %jit3A = arith.constant 0 : i32
    %convert_element_type3A = arith.sitofp %jit3A : i32 to f32
    %pad3A = vector.broadcast %convert_element_type3A : f32 to vector<1x56x16xf32>
    %pad3A_5 = tpu.concatenate %get3A_4, %pad3A in 0 : vector<56x56x16xf32>, vector<1x56x16xf32> -> vector<57x56x16xf32>
    %pad3A_6 = vector.broadcast %convert_element_type3A : f32 to vector<57x1x16xf32>
    %pad3A_7 = tpu.concatenate %pad3A_5, %pad3A_6 in 1 : vector<57x56x16xf32>, vector<57x1x16xf32> -> vector<57x57x16xf32>
    %broadcast_in_dim3A = arith.constant 0.000000e+00 : f32
    %broadcast_in_dim3A_8 = vector.broadcast %broadcast_in_dim3A : f32 to vector<3136x64xf32>
    %slice3A = vector.extract_strided_slice %pad3A_7 {offsets = [0, 0, 0], sizes = [56, 56, 16], strides = [1, 1, 1]} : vector<57x57x16xf32> to vector<56x56x16xf32>
    %reshape3A = vector.shape_cast %slice3A : vector<56x56x16xf32> to vector<3136x16xf32>
    %get3A_9 = arith.constant 0 : index
    %get3A_10 = arith.constant 0 : index
    %get3A_11 = arith.constant 0 : index
    %get3A_12 = vector.load %arg2[%get3A_9, %get3A_10, %get3A_11] : memref<4x16x64xf32, #tpu.memory_space<vmem>>, vector<1x16x64xf32>
    %get3A_13 = vector.shape_cast %get3A_12 : vector<1x16x64xf32> to vector<16x64xf32>
    %dot_general3A = arith.constant dense<0.000000e+00> : vector<3136x64xf32>
    %dot_general3A_14 = tpu.matmul %reshape3A, %get3A_13, %dot_general3A {dimension_numbers = #tpu.dot_dimension_numbers<[1], [0], [0], [1], [0, 0, 1, 1], [], []>, transpose_lhs_hint = false} : vector<3136x16xf32>, vector<16x64xf32>, vector<3136x64xf32> -> vector<3136x64xf32>
    %add3A = arith.addf %broadcast_in_dim3A_8, %dot_general3A_14 : vector<3136x64xf32>
    %slice3A_15 = vector.extract_strided_slice %pad3A_7 {offsets = [0, 1, 0], sizes = [56, 56, 16], strides = [1, 1, 1]} : vector<57x57x16xf32> to vector<56x56x16xf32>
    %reshape3A_16 = vector.shape_cast %slice3A_15 : vector<56x56x16xf32> to vector<3136x16xf32>
    %get3A_17 = arith.constant 1 : index
    %get3A_18 = arith.constant 0 : index
    %get3A_19 = arith.constant 0 : index
    %get3A_20 = vector.load %arg2[%get3A_17, %get3A_18, %get3A_19] : memref<4x16x64xf32, #tpu.memory_space<vmem>>, vector<1x16x64xf32>
    %get3A_21 = vector.shape_cast %get3A_20 : vector<1x16x64xf32> to vector<16x64xf32>
    %dot_general3A_22 = arith.constant dense<0.000000e+00> : vector<3136x64xf32>
    %dot_general3A_23 = tpu.matmul %reshape3A_16, %get3A_21, %dot_general3A_22 {dimension_numbers = #tpu.dot_dimension_numbers<[1], [0], [0], [1], [0, 0, 1, 1], [], []>, transpose_lhs_hint = false} : vector<3136x16xf32>, vector<16x64xf32>, vector<3136x64xf32> -> vector<3136x64xf32>
    %add3A_24 = arith.addf %add3A, %dot_general3A_23 : vector<3136x64xf32>
    %slice3A_25 = vector.extract_strided_slice %pad3A_7 {offsets = [1, 0, 0], sizes = [56, 56, 16], strides = [1, 1, 1]} : vector<57x57x16xf32> to vector<56x56x16xf32>
    %reshape3A_26 = vector.shape_cast %slice3A_25 : vector<56x56x16xf32> to vector<3136x16xf32>
    %get3A_27 = arith.constant 2 : index
    %get3A_28 = arith.constant 0 : index
    %get3A_29 = arith.constant 0 : index
    %get3A_30 = vector.load %arg2[%get3A_27, %get3A_28, %get3A_29] : memref<4x16x64xf32, #tpu.memory_space<vmem>>, vector<1x16x64xf32>
    %get3A_31 = vector.shape_cast %get3A_30 : vector<1x16x64xf32> to vector<16x64xf32>
    %dot_general3A_32 = arith.constant dense<0.000000e+00> : vector<3136x64xf32>
    %dot_general3A_33 = tpu.matmul %reshape3A_26, %get3A_31, %dot_general3A_32 {dimension_numbers = #tpu.dot_dimension_numbers<[1], [0], [0], [1], [0, 0, 1, 1], [], []>, transpose_lhs_hint = false} : vector<3136x16xf32>, vector<16x64xf32>, vector<3136x64xf32> -> vector<3136x64xf32>
    %add3A_34 = arith.addf %add3A_24, %dot_general3A_33 : vector<3136x64xf32>
    %slice3A_35 = vector.extract_strided_slice %pad3A_7 {offsets = [1, 1, 0], sizes = [56, 56, 16], strides = [1, 1, 1]} : vector<57x57x16xf32> to vector<56x56x16xf32>
    %reshape3A_36 = vector.shape_cast %slice3A_35 : vector<56x56x16xf32> to vector<3136x16xf32>
    %get3A_37 = arith.constant 3 : index
    %get3A_38 = arith.constant 0 : index
    %get3A_39 = arith.constant 0 : index
    %get3A_40 = vector.load %arg2[%get3A_37, %get3A_38, %get3A_39] : memref<4x16x64xf32, #tpu.memory_space<vmem>>, vector<1x16x64xf32>
    %get3A_41 = vector.shape_cast %get3A_40 : vector<1x16x64xf32> to vector<16x64xf32>
    %dot_general3A_42 = arith.constant dense<0.000000e+00> : vector<3136x64xf32>
    %dot_general3A_43 = tpu.matmul %reshape3A_36, %get3A_41, %dot_general3A_42 {dimension_numbers = #tpu.dot_dimension_numbers<[1], [0], [0], [1], [0, 0, 1, 1], [], []>, transpose_lhs_hint = false} : vector<3136x16xf32>, vector<16x64xf32>, vector<3136x64xf32> -> vector<3136x64xf32>
    %add3A_44 = arith.addf %add3A_34, %dot_general3A_43 : vector<3136x64xf32>
    %get3A_45 = arith.constant 0 : index
    %get3A_46 = arith.constant 0 : index
    %get3A_47 = vector.load %arg3[%get3A_45, %get3A_46] : memref<1x64xf32, #tpu.memory_space<vmem>>, vector<1x64xf32>
    %get3A_48 = vector.shape_cast %get3A_47 : vector<1x64xf32> to vector<64xf32>
    %broadcast_in_dim3A_49 = vector.shape_cast %get3A_48 : vector<64xf32> to vector<1x64xf32>
    %add3A_50 = vector.broadcast %broadcast_in_dim3A_49 : vector<1x64xf32> to vector<3136x64xf32>
    %add3A_51 = arith.addf %add3A_44, %add3A_50 : vector<3136x64xf32>
    %max3A = arith.constant 0.000000e+00 : f32
    %max3A_52 = vector.broadcast %max3A : f32 to vector<3136x64xf32>
    %max3A_53 = arith.maximumf %add3A_51, %max3A_52 : vector<3136x64xf32>
    %reshape3A_54 = vector.shape_cast %max3A_53 : vector<3136x64xf32> to vector<56x56x64xf32>
    %jit3A_55 = arith.constant 0 : i32
    %convert_element_type3A_56 = arith.sitofp %jit3A_55 : i32 to f32
    %pad3A_57 = vector.broadcast %convert_element_type3A_56 : f32 to vector<1x56x64xf32>
    %pad3A_58 = tpu.concatenate %reshape3A_54, %pad3A_57 in 0 : vector<56x56x64xf32>, vector<1x56x64xf32> -> vector<57x56x64xf32>
    %pad3A_59 = vector.broadcast %convert_element_type3A_56 : f32 to vector<57x1x64xf32>
    %pad3A_60 = tpu.concatenate %pad3A_58, %pad3A_59 in 1 : vector<57x56x64xf32>, vector<57x1x64xf32> -> vector<57x57x64xf32>
    %broadcast_in_dim3A_61 = arith.constant 0.000000e+00 : f32
    %broadcast_in_dim3A_62 = vector.broadcast %broadcast_in_dim3A_61 : f32 to vector<3136x32xf32>
    %slice3A_63 = vector.extract_strided_slice %pad3A_60 {offsets = [0, 0, 0], sizes = [56, 56, 64], strides = [1, 1, 1]} : vector<57x57x64xf32> to vector<56x56x64xf32>
    %reshape3A_64 = vector.shape_cast %slice3A_63 : vector<56x56x64xf32> to vector<3136x64xf32>
    %get3A_65 = arith.constant 0 : index
    %get3A_66 = arith.constant 0 : index
    %get3A_67 = arith.constant 0 : index
    %get3A_68 = vector.load %arg4[%get3A_65, %get3A_66, %get3A_67] : memref<4x64x32xf32, #tpu.memory_space<vmem>>, vector<1x64x32xf32>
    %get3A_69 = vector.shape_cast %get3A_68 : vector<1x64x32xf32> to vector<64x32xf32>
    %dot_general3A_70 = arith.constant dense<0.000000e+00> : vector<3136x32xf32>
    %dot_general3A_71 = tpu.matmul %reshape3A_64, %get3A_69, %dot_general3A_70 {dimension_numbers = #tpu.dot_dimension_numbers<[1], [0], [0], [1], [0, 0, 1, 1], [], []>, transpose_lhs_hint = false} : vector<3136x64xf32>, vector<64x32xf32>, vector<3136x32xf32> -> vector<3136x32xf32>
    %add3A_72 = arith.addf %broadcast_in_dim3A_62, %dot_general3A_71 : vector<3136x32xf32>
    %slice3A_73 = vector.extract_strided_slice %pad3A_60 {offsets = [0, 1, 0], sizes = [56, 56, 64], strides = [1, 1, 1]} : vector<57x57x64xf32> to vector<56x56x64xf32>
    %reshape3A_74 = vector.shape_cast %slice3A_73 : vector<56x56x64xf32> to vector<3136x64xf32>
    %get3A_75 = arith.constant 1 : index
    %get3A_76 = arith.constant 0 : index
    %get3A_77 = arith.constant 0 : index
    %get3A_78 = vector.load %arg4[%get3A_75, %get3A_76, %get3A_77] : memref<4x64x32xf32, #tpu.memory_space<vmem>>, vector<1x64x32xf32>
    %get3A_79 = vector.shape_cast %get3A_78 : vector<1x64x32xf32> to vector<64x32xf32>
    %dot_general3A_80 = arith.constant dense<0.000000e+00> : vector<3136x32xf32>
    %dot_general3A_81 = tpu.matmul %reshape3A_74, %get3A_79, %dot_general3A_80 {dimension_numbers = #tpu.dot_dimension_numbers<[1], [0], [0], [1], [0, 0, 1, 1], [], []>, transpose_lhs_hint = false} : vector<3136x64xf32>, vector<64x32xf32>, vector<3136x32xf32> -> vector<3136x32xf32>
    %add3A_82 = arith.addf %add3A_72, %dot_general3A_81 : vector<3136x32xf32>
    %slice3A_83 = vector.extract_strided_slice %pad3A_60 {offsets = [1, 0, 0], sizes = [56, 56, 64], strides = [1, 1, 1]} : vector<57x57x64xf32> to vector<56x56x64xf32>
    %reshape3A_84 = vector.shape_cast %slice3A_83 : vector<56x56x64xf32> to vector<3136x64xf32>
    %get3A_85 = arith.constant 2 : index
    %get3A_86 = arith.constant 0 : index
    %get3A_87 = arith.constant 0 : index
    %get3A_88 = vector.load %arg4[%get3A_85, %get3A_86, %get3A_87] : memref<4x64x32xf32, #tpu.memory_space<vmem>>, vector<1x64x32xf32>
    %get3A_89 = vector.shape_cast %get3A_88 : vector<1x64x32xf32> to vector<64x32xf32>
    %dot_general3A_90 = arith.constant dense<0.000000e+00> : vector<3136x32xf32>
    %dot_general3A_91 = tpu.matmul %reshape3A_84, %get3A_89, %dot_general3A_90 {dimension_numbers = #tpu.dot_dimension_numbers<[1], [0], [0], [1], [0, 0, 1, 1], [], []>, transpose_lhs_hint = false} : vector<3136x64xf32>, vector<64x32xf32>, vector<3136x32xf32> -> vector<3136x32xf32>
    %add3A_92 = arith.addf %add3A_82, %dot_general3A_91 : vector<3136x32xf32>
    %slice3A_93 = vector.extract_strided_slice %pad3A_60 {offsets = [1, 1, 0], sizes = [56, 56, 64], strides = [1, 1, 1]} : vector<57x57x64xf32> to vector<56x56x64xf32>
    %reshape3A_94 = vector.shape_cast %slice3A_93 : vector<56x56x64xf32> to vector<3136x64xf32>
    %get3A_95 = arith.constant 3 : index
    %get3A_96 = arith.constant 0 : index
    %get3A_97 = arith.constant 0 : index
    %get3A_98 = vector.load %arg4[%get3A_95, %get3A_96, %get3A_97] : memref<4x64x32xf32, #tpu.memory_space<vmem>>, vector<1x64x32xf32>
    %get3A_99 = vector.shape_cast %get3A_98 : vector<1x64x32xf32> to vector<64x32xf32>
    %dot_general3A_100 = arith.constant dense<0.000000e+00> : vector<3136x32xf32>
    %dot_general3A_101 = tpu.matmul %reshape3A_94, %get3A_99, %dot_general3A_100 {dimension_numbers = #tpu.dot_dimension_numbers<[1], [0], [0], [1], [0, 0, 1, 1], [], []>, transpose_lhs_hint = false} : vector<3136x64xf32>, vector<64x32xf32>, vector<3136x32xf32> -> vector<3136x32xf32>
    %add3A_102 = arith.addf %add3A_92, %dot_general3A_101 : vector<3136x32xf32>
    %get3A_103 = arith.constant 0 : index
    %get3A_104 = arith.constant 0 : index
    %get3A_105 = vector.load %arg5[%get3A_103, %get3A_104] : memref<1x32xf32, #tpu.memory_space<vmem>>, vector<1x32xf32>
    %get3A_106 = vector.shape_cast %get3A_105 : vector<1x32xf32> to vector<32xf32>
    %broadcast_in_dim3A_107 = vector.shape_cast %get3A_106 : vector<32xf32> to vector<1x32xf32>
    %add3A_108 = vector.broadcast %broadcast_in_dim3A_107 : vector<1x32xf32> to vector<3136x32xf32>
    %add3A_109 = arith.addf %add3A_102, %add3A_108 : vector<3136x32xf32>
    %max3A_110 = arith.constant 0.000000e+00 : f32
    %max3A_111 = vector.broadcast %max3A_110 : f32 to vector<3136x32xf32>
    %max3A_112 = arith.maximumf %add3A_109, %max3A_111 : vector<3136x32xf32>
    %reshape3A_113 = vector.shape_cast %max3A_112 : vector<3136x32xf32> to vector<56x56x32xf32>
    %jit3A_114 = arith.constant 0 : i32
    %convert_element_type3A_115 = arith.sitofp %jit3A_114 : i32 to f32
    %pad3A_116 = vector.broadcast %convert_element_type3A_115 : f32 to vector<1x56x32xf32>
    %pad3A_117 = tpu.concatenate %pad3A_116, %reshape3A_113 in 0 : vector<1x56x32xf32>, vector<56x56x32xf32> -> vector<57x56x32xf32>
    %pad3A_118 = vector.broadcast %convert_element_type3A_115 : f32 to vector<1x56x32xf32>
    %pad3A_119 = tpu.concatenate %pad3A_117, %pad3A_118 in 0 : vector<57x56x32xf32>, vector<1x56x32xf32> -> vector<58x56x32xf32>
    %pad3A_120 = vector.broadcast %convert_element_type3A_115 : f32 to vector<58x1x32xf32>
    %pad3A_121 = tpu.concatenate %pad3A_120, %pad3A_119 in 1 : vector<58x1x32xf32>, vector<58x56x32xf32> -> vector<58x57x32xf32>
    %pad3A_122 = vector.broadcast %convert_element_type3A_115 : f32 to vector<58x1x32xf32>
    %pad3A_123 = tpu.concatenate %pad3A_121, %pad3A_122 in 1 : vector<58x57x32xf32>, vector<58x1x32xf32> -> vector<58x58x32xf32>
    %broadcast_in_dim3A_124 = arith.constant 0.000000e+00 : f32
    %broadcast_in_dim3A_125 = vector.broadcast %broadcast_in_dim3A_124 : f32 to vector<3136x64xf32>
    %slice3A_126 = vector.extract_strided_slice %pad3A_123 {offsets = [0, 0, 0], sizes = [56, 56, 32], strides = [1, 1, 1]} : vector<58x58x32xf32> to vector<56x56x32xf32>
    %reshape3A_127 = vector.shape_cast %slice3A_126 : vector<56x56x32xf32> to vector<3136x32xf32>
    %get3A_128 = arith.constant 0 : index
    %get3A_129 = arith.constant 0 : index
    %get3A_130 = arith.constant 0 : index
    %get3A_131 = vector.load %arg6[%get3A_128, %get3A_129, %get3A_130] : memref<9x32x64xf32, #tpu.memory_space<vmem>>, vector<1x32x64xf32>
    %get3A_132 = vector.shape_cast %get3A_131 : vector<1x32x64xf32> to vector<32x64xf32>
    %dot_general3A_133 = arith.constant dense<0.000000e+00> : vector<3136x64xf32>
    %dot_general3A_134 = tpu.matmul %reshape3A_127, %get3A_132, %dot_general3A_133 {dimension_numbers = #tpu.dot_dimension_numbers<[1], [0], [0], [1], [0, 0, 1, 1], [], []>, transpose_lhs_hint = false} : vector<3136x32xf32>, vector<32x64xf32>, vector<3136x64xf32> -> vector<3136x64xf32>
    %add3A_135 = arith.addf %broadcast_in_dim3A_125, %dot_general3A_134 : vector<3136x64xf32>
    %slice3A_136 = vector.extract_strided_slice %pad3A_123 {offsets = [0, 1, 0], sizes = [56, 56, 32], strides = [1, 1, 1]} : vector<58x58x32xf32> to vector<56x56x32xf32>
    %reshape3A_137 = vector.shape_cast %slice3A_136 : vector<56x56x32xf32> to vector<3136x32xf32>
    %get3A_138 = arith.constant 1 : index
    %get3A_139 = arith.constant 0 : index
    %get3A_140 = arith.constant 0 : index
    %get3A_141 = vector.load %arg6[%get3A_138, %get3A_139, %get3A_140] : memref<9x32x64xf32, #tpu.memory_space<vmem>>, vector<1x32x64xf32>
    %get3A_142 = vector.shape_cast %get3A_141 : vector<1x32x64xf32> to vector<32x64xf32>
    %dot_general3A_143 = arith.constant dense<0.000000e+00> : vector<3136x64xf32>
    %dot_general3A_144 = tpu.matmul %reshape3A_137, %get3A_142, %dot_general3A_143 {dimension_numbers = #tpu.dot_dimension_numbers<[1], [0], [0], [1], [0, 0, 1, 1], [], []>, transpose_lhs_hint = false} : vector<3136x32xf32>, vector<32x64xf32>, vector<3136x64xf32> -> vector<3136x64xf32>
    %add3A_145 = arith.addf %add3A_135, %dot_general3A_144 : vector<3136x64xf32>
    %slice3A_146 = vector.extract_strided_slice %pad3A_123 {offsets = [0, 2, 0], sizes = [56, 56, 32], strides = [1, 1, 1]} : vector<58x58x32xf32> to vector<56x56x32xf32>
    %reshape3A_147 = vector.shape_cast %slice3A_146 : vector<56x56x32xf32> to vector<3136x32xf32>
    %get3A_148 = arith.constant 2 : index
    %get3A_149 = arith.constant 0 : index
    %get3A_150 = arith.constant 0 : index
    %get3A_151 = vector.load %arg6[%get3A_148, %get3A_149, %get3A_150] : memref<9x32x64xf32, #tpu.memory_space<vmem>>, vector<1x32x64xf32>
    %get3A_152 = vector.shape_cast %get3A_151 : vector<1x32x64xf32> to vector<32x64xf32>
    %dot_general3A_153 = arith.constant dense<0.000000e+00> : vector<3136x64xf32>
    %dot_general3A_154 = tpu.matmul %reshape3A_147, %get3A_152, %dot_general3A_153 {dimension_numbers = #tpu.dot_dimension_numbers<[1], [0], [0], [1], [0, 0, 1, 1], [], []>, transpose_lhs_hint = false} : vector<3136x32xf32>, vector<32x64xf32>, vector<3136x64xf32> -> vector<3136x64xf32>
    %add3A_155 = arith.addf %add3A_145, %dot_general3A_154 : vector<3136x64xf32>
    %slice3A_156 = vector.extract_strided_slice %pad3A_123 {offsets = [1, 0, 0], sizes = [56, 56, 32], strides = [1, 1, 1]} : vector<58x58x32xf32> to vector<56x56x32xf32>
    %reshape3A_157 = vector.shape_cast %slice3A_156 : vector<56x56x32xf32> to vector<3136x32xf32>
    %get3A_158 = arith.constant 3 : index
    %get3A_159 = arith.constant 0 : index
    %get3A_160 = arith.constant 0 : index
    %get3A_161 = vector.load %arg6[%get3A_158, %get3A_159, %get3A_160] : memref<9x32x64xf32, #tpu.memory_space<vmem>>, vector<1x32x64xf32>
    %get3A_162 = vector.shape_cast %get3A_161 : vector<1x32x64xf32> to vector<32x64xf32>
    %dot_general3A_163 = arith.constant dense<0.000000e+00> : vector<3136x64xf32>
    %dot_general3A_164 = tpu.matmul %reshape3A_157, %get3A_162, %dot_general3A_163 {dimension_numbers = #tpu.dot_dimension_numbers<[1], [0], [0], [1], [0, 0, 1, 1], [], []>, transpose_lhs_hint = false} : vector<3136x32xf32>, vector<32x64xf32>, vector<3136x64xf32> -> vector<3136x64xf32>
    %add3A_165 = arith.addf %add3A_155, %dot_general3A_164 : vector<3136x64xf32>
    %slice3A_166 = vector.extract_strided_slice %pad3A_123 {offsets = [1, 1, 0], sizes = [56, 56, 32], strides = [1, 1, 1]} : vector<58x58x32xf32> to vector<56x56x32xf32>
    %reshape3A_167 = vector.shape_cast %slice3A_166 : vector<56x56x32xf32> to vector<3136x32xf32>
    %get3A_168 = arith.constant 4 : index
    %get3A_169 = arith.constant 0 : index
    %get3A_170 = arith.constant 0 : index
    %get3A_171 = vector.load %arg6[%get3A_168, %get3A_169, %get3A_170] : memref<9x32x64xf32, #tpu.memory_space<vmem>>, vector<1x32x64xf32>
    %get3A_172 = vector.shape_cast %get3A_171 : vector<1x32x64xf32> to vector<32x64xf32>
    %dot_general3A_173 = arith.constant dense<0.000000e+00> : vector<3136x64xf32>
    %dot_general3A_174 = tpu.matmul %reshape3A_167, %get3A_172, %dot_general3A_173 {dimension_numbers = #tpu.dot_dimension_numbers<[1], [0], [0], [1], [0, 0, 1, 1], [], []>, transpose_lhs_hint = false} : vector<3136x32xf32>, vector<32x64xf32>, vector<3136x64xf32> -> vector<3136x64xf32>
    %add3A_175 = arith.addf %add3A_165, %dot_general3A_174 : vector<3136x64xf32>
    %slice3A_176 = vector.extract_strided_slice %pad3A_123 {offsets = [1, 2, 0], sizes = [56, 56, 32], strides = [1, 1, 1]} : vector<58x58x32xf32> to vector<56x56x32xf32>
    %reshape3A_177 = vector.shape_cast %slice3A_176 : vector<56x56x32xf32> to vector<3136x32xf32>
    %get3A_178 = arith.constant 5 : index
    %get3A_179 = arith.constant 0 : index
    %get3A_180 = arith.constant 0 : index
    %get3A_181 = vector.load %arg6[%get3A_178, %get3A_179, %get3A_180] : memref<9x32x64xf32, #tpu.memory_space<vmem>>, vector<1x32x64xf32>
    %get3A_182 = vector.shape_cast %get3A_181 : vector<1x32x64xf32> to vector<32x64xf32>
    %dot_general3A_183 = arith.constant dense<0.000000e+00> : vector<3136x64xf32>
    %dot_general3A_184 = tpu.matmul %reshape3A_177, %get3A_182, %dot_general3A_183 {dimension_numbers = #tpu.dot_dimension_numbers<[1], [0], [0], [1], [0, 0, 1, 1], [], []>, transpose_lhs_hint = false} : vector<3136x32xf32>, vector<32x64xf32>, vector<3136x64xf32> -> vector<3136x64xf32>
    %add3A_185 = arith.addf %add3A_175, %dot_general3A_184 : vector<3136x64xf32>
    %slice3A_186 = vector.extract_strided_slice %pad3A_123 {offsets = [2, 0, 0], sizes = [56, 56, 32], strides = [1, 1, 1]} : vector<58x58x32xf32> to vector<56x56x32xf32>
    %reshape3A_187 = vector.shape_cast %slice3A_186 : vector<56x56x32xf32> to vector<3136x32xf32>
    %get3A_188 = arith.constant 6 : index
    %get3A_189 = arith.constant 0 : index
    %get3A_190 = arith.constant 0 : index
    %get3A_191 = vector.load %arg6[%get3A_188, %get3A_189, %get3A_190] : memref<9x32x64xf32, #tpu.memory_space<vmem>>, vector<1x32x64xf32>
    %get3A_192 = vector.shape_cast %get3A_191 : vector<1x32x64xf32> to vector<32x64xf32>
    %dot_general3A_193 = arith.constant dense<0.000000e+00> : vector<3136x64xf32>
    %dot_general3A_194 = tpu.matmul %reshape3A_187, %get3A_192, %dot_general3A_193 {dimension_numbers = #tpu.dot_dimension_numbers<[1], [0], [0], [1], [0, 0, 1, 1], [], []>, transpose_lhs_hint = false} : vector<3136x32xf32>, vector<32x64xf32>, vector<3136x64xf32> -> vector<3136x64xf32>
    %add3A_195 = arith.addf %add3A_185, %dot_general3A_194 : vector<3136x64xf32>
    %slice3A_196 = vector.extract_strided_slice %pad3A_123 {offsets = [2, 1, 0], sizes = [56, 56, 32], strides = [1, 1, 1]} : vector<58x58x32xf32> to vector<56x56x32xf32>
    %reshape3A_197 = vector.shape_cast %slice3A_196 : vector<56x56x32xf32> to vector<3136x32xf32>
    %get3A_198 = arith.constant 7 : index
    %get3A_199 = arith.constant 0 : index
    %get3A_200 = arith.constant 0 : index
    %get3A_201 = vector.load %arg6[%get3A_198, %get3A_199, %get3A_200] : memref<9x32x64xf32, #tpu.memory_space<vmem>>, vector<1x32x64xf32>
    %get3A_202 = vector.shape_cast %get3A_201 : vector<1x32x64xf32> to vector<32x64xf32>
    %dot_general3A_203 = arith.constant dense<0.000000e+00> : vector<3136x64xf32>
    %dot_general3A_204 = tpu.matmul %reshape3A_197, %get3A_202, %dot_general3A_203 {dimension_numbers = #tpu.dot_dimension_numbers<[1], [0], [0], [1], [0, 0, 1, 1], [], []>, transpose_lhs_hint = false} : vector<3136x32xf32>, vector<32x64xf32>, vector<3136x64xf32> -> vector<3136x64xf32>
    %add3A_205 = arith.addf %add3A_195, %dot_general3A_204 : vector<3136x64xf32>
    %slice3A_206 = vector.extract_strided_slice %pad3A_123 {offsets = [2, 2, 0], sizes = [56, 56, 32], strides = [1, 1, 1]} : vector<58x58x32xf32> to vector<56x56x32xf32>
    %reshape3A_207 = vector.shape_cast %slice3A_206 : vector<56x56x32xf32> to vector<3136x32xf32>
    %get3A_208 = arith.constant 8 : index
    %get3A_209 = arith.constant 0 : index
    %get3A_210 = arith.constant 0 : index
    %get3A_211 = vector.load %arg6[%get3A_208, %get3A_209, %get3A_210] : memref<9x32x64xf32, #tpu.memory_space<vmem>>, vector<1x32x64xf32>
    %get3A_212 = vector.shape_cast %get3A_211 : vector<1x32x64xf32> to vector<32x64xf32>
    %dot_general3A_213 = arith.constant dense<0.000000e+00> : vector<3136x64xf32>
    %dot_general3A_214 = tpu.matmul %reshape3A_207, %get3A_212, %dot_general3A_213 {dimension_numbers = #tpu.dot_dimension_numbers<[1], [0], [0], [1], [0, 0, 1, 1], [], []>, transpose_lhs_hint = false} : vector<3136x32xf32>, vector<32x64xf32>, vector<3136x64xf32> -> vector<3136x64xf32>
    %add3A_215 = arith.addf %add3A_205, %dot_general3A_214 : vector<3136x64xf32>
    %get3A_216 = arith.constant 0 : index
    %get3A_217 = arith.constant 0 : index
    %get3A_218 = vector.load %arg7[%get3A_216, %get3A_217] : memref<1x64xf32, #tpu.memory_space<vmem>>, vector<1x64xf32>
    %get3A_219 = vector.shape_cast %get3A_218 : vector<1x64xf32> to vector<64xf32>
    %broadcast_in_dim3A_220 = vector.shape_cast %get3A_219 : vector<64xf32> to vector<1x64xf32>
    %add3A_221 = vector.broadcast %broadcast_in_dim3A_220 : vector<1x64xf32> to vector<3136x64xf32>
    %add3A_222 = arith.addf %add3A_215, %add3A_221 : vector<3136x64xf32>
    %reshape3A_223 = vector.shape_cast %add3A_222 : vector<3136x64xf32> to vector<56x56x64xf32>
    %swap3A = arith.constant 0 : index
    %swap3A_224 = arith.constant 0 : index
    %swap3A_225 = arith.constant 0 : index
    %swap3A_226 = arith.constant 0 : index
    %swap3A_227 = vector.load %arg10[%swap3A, %swap3A_224, %swap3A_225, %swap3A_226] : memref<1x56x56x64xf32, #tpu.memory_space<vmem>>, vector<1x56x56x64xf32>
    %swap3A_228 = vector.shape_cast %swap3A_227 : vector<1x56x56x64xf32> to vector<56x56x64xf32>
    %swap3A_229 = vector.shape_cast %reshape3A_223 : vector<56x56x64xf32> to vector<1x56x56x64xf32>
    tpu.vector_store %arg10[%swap3A, %swap3A_224, %swap3A_225, %swap3A_226], %swap3A_229 {strides = array<i32>} : memref<1x56x56x64xf32, #tpu.memory_space<vmem>>, vector<1x56x56x64xf32>,
    %slice3A_230 = vector.extract_strided_slice %add3A_222 {offsets = [0, 0], sizes = [784, 64], strides = [1, 1]} : vector<3136x64xf32> to vector<784x64xf32>
    %get3A_231 = arith.constant 0 : index
    %get3A_232 = arith.constant 0 : index
    %get3A_233 = vector.load %arg9[%get3A_231, %get3A_232] : memref<1x1024xf32, #tpu.memory_space<vmem>>, vector<1x1024xf32>
    %get3A_234 = arith.constant 0 : index
    %get3A_235 = arith.constant 0 : index
    %get3A_236 = vector.load %arg8[%get3A_234, %get3A_235] : memref<64x1024xf32, #tpu.memory_space<vmem>>, vector<64x1024xf32>
    %dot_general3A_237 = arith.constant dense<0.000000e+00> : vector<784x1024xf32>
    %dot_general3A_238 = tpu.matmul %slice3A_230, %get3A_236, %dot_general3A_237 {dimension_numbers = #tpu.dot_dimension_numbers<[1], [0], [0], [1], [0, 0, 1, 1], [], []>, transpose_lhs_hint = false} : vector<784x64xf32>, vector<64x1024xf32>, vector<784x1024xf32> -> vector<784x1024xf32>
    %mul3A = arith.constant 2.000000e+00 : f32
    %mul3A_239 = vector.broadcast %mul3A : f32 to vector<784x1024xf32>
    %mul3A_240 = arith.mulf %mul3A_239, %dot_general3A_238 : vector<784x1024xf32>
    %sub3A = vector.broadcast %get3A_233 : vector<1x1024xf32> to vector<784x1024xf32>
    %sub3A_241 = arith.subf %sub3A, %mul3A_240 : vector<784x1024xf32>
    %reduce_min3A = arith.constant dense<0x7F800000> : vector<784xf32>
    %reduce_min3A_242 = vector.multi_reduction <minimumf>, %sub3A_241, %reduce_min3A [1] : vector<784x1024xf32> to vector<784xf32>
    %broadcast_in_dim3A_243 = vector.shape_cast %reduce_min3A_242 : vector<784xf32> to vector<784x1xf32>
    %iota3A = tpu.iota {dimensions = array<i32: 1>} : vector<784x1024xi32>
    %eq3A = vector.broadcast %broadcast_in_dim3A_243 : vector<784x1xf32> to vector<784x1024xf32>
    %eq3A_244 = arith.cmpf oeq, %sub3A_241, %eq3A : vector<784x1024xf32>
    %jit3A_245 = arith.constant 1024 : i32
    %broadcast_in_dim3A_246 = vector.broadcast %jit3A_245 : i32 to vector<784x1024xi32>
    %select_n3A = arith.select %eq3A_244, %iota3A, %broadcast_in_dim3A_246 : vector<784x1024xi1>, vector<784x1024xi32>
    %reduce_min3A_247 = arith.constant dense<2147483647> : vector<784xi32>
    %reduce_min3A_248 = vector.multi_reduction <minsi>, %select_n3A, %reduce_min3A_247 [1] : vector<784x1024xi32> to vector<784xi32>
    %swap3A_249 = arith.constant 0 : index
    %swap3A_250 = arith.constant 0 : index
    %swap3A_251 = arith.constant 0 : index
    %swap3A_252 = vector.load %arg11[%swap3A_249, %swap3A_250, %swap3A_251] : memref<1x1x3136xi32, #tpu.memory_space<vmem>>, vector<1x1x784xi32>
    %swap3A_253 = vector.shape_cast %swap3A_252 : vector<1x1x784xi32> to vector<784xi32>
    %swap3A_254 = vector.shape_cast %reduce_min3A_248 : vector<784xi32> to vector<1x1x784xi32>
    tpu.vector_store %arg11[%swap3A_249, %swap3A_250, %swap3A_251], %swap3A_254 {strides = array<i32>} : memref<1x1x3136xi32, #tpu.memory_space<vmem>>, vector<1x1x784xi32>,
    %slice3A_255 = vector.extract_strided_slice %add3A_222 {offsets = [784, 0], sizes = [784, 64], strides = [1, 1]} : vector<3136x64xf32> to vector<784x64xf32>
    %get3A_256 = arith.constant 0 : index
    %get3A_257 = arith.constant 0 : index
    %get3A_258 = vector.load %arg9[%get3A_256, %get3A_257] : memref<1x1024xf32, #tpu.memory_space<vmem>>, vector<1x1024xf32>
    %get3A_259 = arith.constant 0 : index
    %get3A_260 = arith.constant 0 : index
    %get3A_261 = vector.load %arg8[%get3A_259, %get3A_260] : memref<64x1024xf32, #tpu.memory_space<vmem>>, vector<64x1024xf32>
    %dot_general3A_262 = arith.constant dense<0.000000e+00> : vector<784x1024xf32>
    %dot_general3A_263 = tpu.matmul %slice3A_255, %get3A_261, %dot_general3A_262 {dimension_numbers = #tpu.dot_dimension_numbers<[1], [0], [0], [1], [0, 0, 1, 1], [], []>, transpose_lhs_hint = false} : vector<784x64xf32>, vector<64x1024xf32>, vector<784x1024xf32> -> vector<784x1024xf32>
    %mul3A_264 = arith.constant 2.000000e+00 : f32
    %mul3A_265 = vector.broadcast %mul3A_264 : f32 to vector<784x1024xf32>
    %mul3A_266 = arith.mulf %mul3A_265, %dot_general3A_263 : vector<784x1024xf32>
    %sub3A_267 = vector.broadcast %get3A_258 : vector<1x1024xf32> to vector<784x1024xf32>
    %sub3A_268 = arith.subf %sub3A_267, %mul3A_266 : vector<784x1024xf32>
    %reduce_min3A_269 = arith.constant dense<0x7F800000> : vector<784xf32>
    %reduce_min3A_270 = vector.multi_reduction <minimumf>, %sub3A_268, %reduce_min3A_269 [1] : vector<784x1024xf32> to vector<784xf32>
    %broadcast_in_dim3A_271 = vector.shape_cast %reduce_min3A_270 : vector<784xf32> to vector<784x1xf32>
    %iota3A_272 = tpu.iota {dimensions = array<i32: 1>} : vector<784x1024xi32>
    %eq3A_273 = vector.broadcast %broadcast_in_dim3A_271 : vector<784x1xf32> to vector<784x1024xf32>
    %eq3A_274 = arith.cmpf oeq, %sub3A_268, %eq3A_273 : vector<784x1024xf32>
    %jit3A_275 = arith.constant 1024 : i32
    %broadcast_in_dim3A_276 = vector.broadcast %jit3A_275 : i32 to vector<784x1024xi32>
    %select_n3A_277 = arith.select %eq3A_274, %iota3A_272, %broadcast_in_dim3A_276 : vector<784x1024xi1>, vector<784x1024xi32>
    %reduce_min3A_278 = arith.constant dense<2147483647> : vector<784xi32>
    %reduce_min3A_279 = vector.multi_reduction <minsi>, %select_n3A_277, %reduce_min3A_278 [1] : vector<784x1024xi32> to vector<784xi32>
    %swap3A_280 = arith.constant 0 : index
    %swap3A_281 = arith.constant 0 : index
    %swap3A_282 = arith.constant 784 : index
    %swap3A_283 = vector.load %arg11[%swap3A_280, %swap3A_281, %swap3A_282] : memref<1x1x3136xi32, #tpu.memory_space<vmem>>, vector<1x1x784xi32>
    %swap3A_284 = vector.shape_cast %swap3A_283 : vector<1x1x784xi32> to vector<784xi32>
    %swap3A_285 = vector.shape_cast %reduce_min3A_279 : vector<784xi32> to vector<1x1x784xi32>
    tpu.vector_store %arg11[%swap3A_280, %swap3A_281, %swap3A_282], %swap3A_285 {strides = array<i32>} : memref<1x1x3136xi32, #tpu.memory_space<vmem>>, vector<1x1x784xi32>,
    %slice3A_286 = vector.extract_strided_slice %add3A_222 {offsets = [1568, 0], sizes = [784, 64], strides = [1, 1]} : vector<3136x64xf32> to vector<784x64xf32>
    %get3A_287 = arith.constant 0 : index
    %get3A_288 = arith.constant 0 : index
    %get3A_289 = vector.load %arg9[%get3A_287, %get3A_288] : memref<1x1024xf32, #tpu.memory_space<vmem>>, vector<1x1024xf32>
    %get3A_290 = arith.constant 0 : index
    %get3A_291 = arith.constant 0 : index
    %get3A_292 = vector.load %arg8[%get3A_290, %get3A_291] : memref<64x1024xf32, #tpu.memory_space<vmem>>, vector<64x1024xf32>
    %dot_general3A_293 = arith.constant dense<0.000000e+00> : vector<784x1024xf32>
    %dot_general3A_294 = tpu.matmul %slice3A_286, %get3A_292, %dot_general3A_293 {dimension_numbers = #tpu.dot_dimension_numbers<[1], [0], [0], [1], [0, 0, 1, 1], [], []>, transpose_lhs_hint = false} : vector<784x64xf32>, vector<64x1024xf32>, vector<784x1024xf32> -> vector<784x1024xf32>
    %mul3A_295 = arith.constant 2.000000e+00 : f32
    %mul3A_296 = vector.broadcast %mul3A_295 : f32 to vector<784x1024xf32>
    %mul3A_297 = arith.mulf %mul3A_296, %dot_general3A_294 : vector<784x1024xf32>
    %sub3A_298 = vector.broadcast %get3A_289 : vector<1x1024xf32> to vector<784x1024xf32>
    %sub3A_299 = arith.subf %sub3A_298, %mul3A_297 : vector<784x1024xf32>
    %reduce_min3A_300 = arith.constant dense<0x7F800000> : vector<784xf32>
    %reduce_min3A_301 = vector.multi_reduction <minimumf>, %sub3A_299, %reduce_min3A_300 [1] : vector<784x1024xf32> to vector<784xf32>
    %broadcast_in_dim3A_302 = vector.shape_cast %reduce_min3A_301 : vector<784xf32> to vector<784x1xf32>
    %iota3A_303 = tpu.iota {dimensions = array<i32: 1>} : vector<784x1024xi32>
    %eq3A_304 = vector.broadcast %broadcast_in_dim3A_302 : vector<784x1xf32> to vector<784x1024xf32>
    %eq3A_305 = arith.cmpf oeq, %sub3A_299, %eq3A_304 : vector<784x1024xf32>
    %jit3A_306 = arith.constant 1024 : i32
    %broadcast_in_dim3A_307 = vector.broadcast %jit3A_306 : i32 to vector<784x1024xi32>
    %select_n3A_308 = arith.select %eq3A_305, %iota3A_303, %broadcast_in_dim3A_307 : vector<784x1024xi1>, vector<784x1024xi32>
    %reduce_min3A_309 = arith.constant dense<2147483647> : vector<784xi32>
    %reduce_min3A_310 = vector.multi_reduction <minsi>, %select_n3A_308, %reduce_min3A_309 [1] : vector<784x1024xi32> to vector<784xi32>
    %swap3A_311 = arith.constant 0 : index
    %swap3A_312 = arith.constant 0 : index
    %swap3A_313 = arith.constant 1568 : index
    %swap3A_314 = vector.load %arg11[%swap3A_311, %swap3A_312, %swap3A_313] : memref<1x1x3136xi32, #tpu.memory_space<vmem>>, vector<1x1x784xi32>
    %swap3A_315 = vector.shape_cast %swap3A_314 : vector<1x1x784xi32> to vector<784xi32>
    %swap3A_316 = vector.shape_cast %reduce_min3A_310 : vector<784xi32> to vector<1x1x784xi32>
    tpu.vector_store %arg11[%swap3A_311, %swap3A_312, %swap3A_313], %swap3A_316 {strides = array<i32>} : memref<1x1x3136xi32, #tpu.memory_space<vmem>>, vector<1x1x784xi32>,
    %slice3A_317 = vector.extract_strided_slice %add3A_222 {offsets = [2352, 0], sizes = [784, 64], strides = [1, 1]} : vector<3136x64xf32> to vector<784x64xf32>
    %get3A_318 = arith.constant 0 : index
    %get3A_319 = arith.constant 0 : index
    %get3A_320 = vector.load %arg9[%get3A_318, %get3A_319] : memref<1x1024xf32, #tpu.memory_space<vmem>>, vector<1x1024xf32>
    %get3A_321 = arith.constant 0 : index
    %get3A_322 = arith.constant 0 : index
    %get3A_323 = vector.load %arg8[%get3A_321, %get3A_322] : memref<64x1024xf32, #tpu.memory_space<vmem>>, vector<64x1024xf32>
    %dot_general3A_324 = arith.constant dense<0.000000e+00> : vector<784x1024xf32>
    %dot_general3A_325 = tpu.matmul %slice3A_317, %get3A_323, %dot_general3A_324 {dimension_numbers = #tpu.dot_dimension_numbers<[1], [0], [0], [1], [0, 0, 1, 1], [], []>, transpose_lhs_hint = false} : vector<784x64xf32>, vector<64x1024xf32>, vector<784x1024xf32> -> vector<784x1024xf32>
    %mul3A_326 = arith.constant 2.000000e+00 : f32
    %mul3A_327 = vector.broadcast %mul3A_326 : f32 to vector<784x1024xf32>
    %mul3A_328 = arith.mulf %mul3A_327, %dot_general3A_325 : vector<784x1024xf32>
    %sub3A_329 = vector.broadcast %get3A_320 : vector<1x1024xf32> to vector<784x1024xf32>
    %sub3A_330 = arith.subf %sub3A_329, %mul3A_328 : vector<784x1024xf32>
    %reduce_min3A_331 = arith.constant dense<0x7F800000> : vector<784xf32>
    %reduce_min3A_332 = vector.multi_reduction <minimumf>, %sub3A_330, %reduce_min3A_331 [1] : vector<784x1024xf32> to vector<784xf32>
    %broadcast_in_dim3A_333 = vector.shape_cast %reduce_min3A_332 : vector<784xf32> to vector<784x1xf32>
    %iota3A_334 = tpu.iota {dimensions = array<i32: 1>} : vector<784x1024xi32>
    %eq3A_335 = vector.broadcast %broadcast_in_dim3A_333 : vector<784x1xf32> to vector<784x1024xf32>
    %eq3A_336 = arith.cmpf oeq, %sub3A_330, %eq3A_335 : vector<784x1024xf32>
    %jit3A_337 = arith.constant 1024 : i32
    %broadcast_in_dim3A_338 = vector.broadcast %jit3A_337 : i32 to vector<784x1024xi32>
    %select_n3A_339 = arith.select %eq3A_336, %iota3A_334, %broadcast_in_dim3A_338 : vector<784x1024xi1>, vector<784x1024xi32>
    %reduce_min3A_340 = arith.constant dense<2147483647> : vector<784xi32>
    %reduce_min3A_341 = vector.multi_reduction <minsi>, %select_n3A_339, %reduce_min3A_340 [1] : vector<784x1024xi32> to vector<784xi32>
    %swap3A_342 = arith.constant 0 : index
    %swap3A_343 = arith.constant 0 : index
    %swap3A_344 = arith.constant 2352 : index
    %swap3A_345 = vector.load %arg11[%swap3A_342, %swap3A_343, %swap3A_344] : memref<1x1x3136xi32, #tpu.memory_space<vmem>>, vector<1x1x784xi32>
    %swap3A_346 = vector.shape_cast %swap3A_345 : vector<1x1x784xi32> to vector<784xi32>
    %swap3A_347 = vector.shape_cast %reduce_min3A_341 : vector<784xi32> to vector<1x1x784xi32>
    tpu.vector_store %arg11[%swap3A_342, %swap3A_343, %swap3A_344], %swap3A_347 {strides = array<i32>} : memref<1x1x3136xi32, #tpu.memory_space<vmem>>, vector<1x1x784xi32>,
    return
  }
  func.func @transform_0(%arg0: i32) -> (i32, i32, i32, i32) {
    %c0_i32 = arith.constant 0 : i32
    %c0_i32_0 = arith.constant 0 : i32
    %c0_i32_1 = arith.constant 0 : i32
    %c0_i32_2 = arith.constant 0 : i32
    return %arg0, %c0_i32, %c0_i32_0, %c0_i32_1 : i32, i32, i32, i32
  }
  func.func @transform_1(%arg0: i32) -> (i32, i32, i32) {
    %c0_i32 = arith.constant 0 : i32
    %c0_i32_0 = arith.constant 0 : i32
    %c0_i32_1 = arith.constant 0 : i32
    %c0_i32_2 = arith.constant 0 : i32
    return %c0_i32, %c0_i32_0, %c0_i32_1 : i32, i32, i32
  }
  func.func @transform_2(%arg0: i32) -> (i32, i32) {
    %c0_i32 = arith.constant 0 : i32
    %c0_i32_0 = arith.constant 0 : i32
    %c0_i32_1 = arith.constant 0 : i32
    return %c0_i32, %c0_i32_0 : i32, i32
  }
  func.func @transform_3(%arg0: i32) -> (i32, i32, i32) {
    %c0_i32 = arith.constant 0 : i32
    %c0_i32_0 = arith.constant 0 : i32
    %c0_i32_1 = arith.constant 0 : i32
    %c0_i32_2 = arith.constant 0 : i32
    return %c0_i32, %c0_i32_0, %c0_i32_1 : i32, i32, i32
  }
  func.func @transform_4(%arg0: i32) -> (i32, i32) {
    %c0_i32 = arith.constant 0 : i32
    %c0_i32_0 = arith.constant 0 : i32
    %c0_i32_1 = arith.constant 0 : i32
    return %c0_i32, %c0_i32_0 : i32, i32
  }
  func.func @transform_5(%arg0: i32) -> (i32, i32, i32) {
    %c0_i32 = arith.constant 0 : i32
    %c0_i32_0 = arith.constant 0 : i32
    %c0_i32_1 = arith.constant 0 : i32
    %c0_i32_2 = arith.constant 0 : i32
    return %c0_i32, %c0_i32_0, %c0_i32_1 : i32, i32, i32
  }
  func.func @transform_6(%arg0: i32) -> (i32, i32) {
    %c0_i32 = arith.constant 0 : i32
    %c0_i32_0 = arith.constant 0 : i32
    %c0_i32_1 = arith.constant 0 : i32
    return %c0_i32, %c0_i32_0 : i32, i32
  }
  func.func @transform_7(%arg0: i32) -> (i32, i32) {
    %c0_i32 = arith.constant 0 : i32
    %c0_i32_0 = arith.constant 0 : i32
    %c0_i32_1 = arith.constant 0 : i32
    return %c0_i32, %c0_i32_0 : i32, i32
  }
  func.func @transform_8(%arg0: i32) -> (i32, i32) {
    %c0_i32 = arith.constant 0 : i32
    %c0_i32_0 = arith.constant 0 : i32
    %c0_i32_1 = arith.constant 0 : i32
    return %c0_i32, %c0_i32_0 : i32, i32
  }
  func.func @transform_9(%arg0: i32) -> (i32, i32, i32, i32) {
    %c0_i32 = arith.constant 0 : i32
    %c0_i32_0 = arith.constant 0 : i32
    %c0_i32_1 = arith.constant 0 : i32
    %c0_i32_2 = arith.constant 0 : i32
    return %arg0, %c0_i32, %c0_i32_0, %c0_i32_1 : i32, i32, i32, i32
  }
  func.func @transform_10(%arg0: i32) -> (i32, i32, i32) {
    %c0_i32 = arith.constant 0 : i32
    %c0_i32_0 = arith.constant 0 : i32
    %c0_i32_1 = arith.constant 0 : i32
    return %arg0, %c0_i32, %c0_i32_0 : i32, i32, i32
  }
}

module attributes {stable_mosaic.version = 14 : i64} {
  func.func @_dec_body(%arg0: i32, %arg1: memref<1x56x56x64xf32, #tpu.memory_space<vmem>>, %arg2: memref<1x56x56x128xf32, #tpu.memory_space<vmem>>, %arg3: memref<4x64x128xf32, #tpu.memory_space<vmem>>, %arg4: memref<1x128xf32, #tpu.memory_space<vmem>>, %arg5: memref<4x128x256xf32, #tpu.memory_space<vmem>>, %arg6: memref<1x256xf32, #tpu.memory_space<vmem>>, %arg7: memref<9x256x16xf32, #tpu.memory_space<vmem>>, %arg8: memref<1x16xf32, #tpu.memory_space<vmem>>, %arg9: memref<1x56x56x16xf32, #tpu.memory_space<vmem>>, %arg10: memref<1x56x56x64xf32, #tpu.memory_space<vmem>>) attributes {dimension_semantics = [#tpu.dimension_semantics<arbitrary>], iteration_bounds = array<i64: 8>, scalar_prefetch = 0 : i64, scratch_operands = 0 : i64, tpu.core_type = #tpu.core_type<tc>, window_params = [{transform_indices = @transform_0, window_bounds = array<i64: 1, 56, 56, 64>}, {transform_indices = @transform_1, window_bounds = array<i64: 1, 56, 56, 128>}, {pipeline_mode = #tpu.pipeline_mode<synchronous>, transform_indices = @transform_2, window_bounds = array<i64: 4, 64, 128>}, {pipeline_mode = #tpu.pipeline_mode<synchronous>, transform_indices = @transform_3, window_bounds = array<i64: 1, 128>}, {pipeline_mode = #tpu.pipeline_mode<synchronous>, transform_indices = @transform_4, window_bounds = array<i64: 4, 128, 256>}, {pipeline_mode = #tpu.pipeline_mode<synchronous>, transform_indices = @transform_5, window_bounds = array<i64: 1, 256>}, {pipeline_mode = #tpu.pipeline_mode<synchronous>, transform_indices = @transform_6, window_bounds = array<i64: 9, 256, 16>}, {pipeline_mode = #tpu.pipeline_mode<synchronous>, transform_indices = @transform_7, window_bounds = array<i64: 1, 16>}, {transform_indices = @transform_8, window_bounds = array<i64: 1, 56, 56, 16>}, {transform_indices = @transform_9, window_bounds = array<i64: 1, 56, 56, 64>}]} {
    %get3A = arith.constant 0 : index
    %get3A_0 = arith.constant 0 : index
    %get3A_1 = arith.constant 0 : index
    %get3A_2 = arith.constant 0 : index
    %get3A_3 = vector.load %arg1[%get3A, %get3A_0, %get3A_1, %get3A_2] : memref<1x56x56x64xf32, #tpu.memory_space<vmem>>, vector<1x56x56x64xf32>
    %get3A_4 = vector.shape_cast %get3A_3 : vector<1x56x56x64xf32> to vector<56x56x64xf32>
    %get3A_5 = arith.constant 0 : index
    %get3A_6 = arith.constant 0 : index
    %get3A_7 = arith.constant 0 : index
    %get3A_8 = arith.constant 0 : index
    %get3A_9 = vector.load %arg2[%get3A_5, %get3A_6, %get3A_7, %get3A_8] : memref<1x56x56x128xf32, #tpu.memory_space<vmem>>, vector<1x56x56x128xf32>
    %get3A_10 = vector.shape_cast %get3A_9 : vector<1x56x56x128xf32> to vector<56x56x128xf32>
    %slice3A = vector.extract_strided_slice %get3A_10 {offsets = [0, 0, 0], sizes = [56, 56, 64], strides = [1, 1, 1]} : vector<56x56x128xf32> to vector<56x56x64xf32>
    %swap3A = arith.constant 0 : index
    %swap3A_11 = arith.constant 0 : index
    %swap3A_12 = arith.constant 0 : index
    %swap3A_13 = arith.constant 0 : index
    %swap3A_14 = vector.load %arg10[%swap3A, %swap3A_11, %swap3A_12, %swap3A_13] : memref<1x56x56x64xf32, #tpu.memory_space<vmem>>, vector<1x56x56x64xf32>
    %swap3A_15 = vector.shape_cast %swap3A_14 : vector<1x56x56x64xf32> to vector<56x56x64xf32>
    %swap3A_16 = vector.shape_cast %slice3A : vector<56x56x64xf32> to vector<1x56x56x64xf32>
    tpu.vector_store %arg10[%swap3A, %swap3A_11, %swap3A_12, %swap3A_13], %swap3A_16 {strides = array<i32>} : memref<1x56x56x64xf32, #tpu.memory_space<vmem>>, vector<1x56x56x64xf32>,
    %sub3A = arith.subf %slice3A, %get3A_4 : vector<56x56x64xf32>
    %add3A = arith.addf %get3A_4, %sub3A : vector<56x56x64xf32>
    %jit3A = arith.constant 0 : i32
    %convert_element_type3A = arith.sitofp %jit3A : i32 to f32
    %pad3A = vector.broadcast %convert_element_type3A : f32 to vector<1x56x64xf32>
    %pad3A_17 = tpu.concatenate %pad3A, %add3A in 0 : vector<1x56x64xf32>, vector<56x56x64xf32> -> vector<57x56x64xf32>
    %pad3A_18 = vector.broadcast %convert_element_type3A : f32 to vector<57x1x64xf32>
    %pad3A_19 = tpu.concatenate %pad3A_18, %pad3A_17 in 1 : vector<57x1x64xf32>, vector<57x56x64xf32> -> vector<57x57x64xf32>
    %broadcast_in_dim3A = arith.constant 0.000000e+00 : f32
    %broadcast_in_dim3A_20 = vector.broadcast %broadcast_in_dim3A : f32 to vector<3136x128xf32>
    %slice3A_21 = vector.extract_strided_slice %pad3A_19 {offsets = [0, 0, 0], sizes = [56, 56, 64], strides = [1, 1, 1]} : vector<57x57x64xf32> to vector<56x56x64xf32>
    %reshape3A = vector.shape_cast %slice3A_21 : vector<56x56x64xf32> to vector<3136x64xf32>
    %get3A_22 = arith.constant 0 : index
    %get3A_23 = arith.constant 0 : index
    %get3A_24 = arith.constant 0 : index
    %get3A_25 = vector.load %arg3[%get3A_22, %get3A_23, %get3A_24] : memref<4x64x128xf32, #tpu.memory_space<vmem>>, vector<1x64x128xf32>
    %get3A_26 = vector.shape_cast %get3A_25 : vector<1x64x128xf32> to vector<64x128xf32>
    %dot_general3A = arith.constant dense<0.000000e+00> : vector<3136x128xf32>
    %dot_general3A_27 = tpu.matmul %reshape3A, %get3A_26, %dot_general3A {dimension_numbers = #tpu.dot_dimension_numbers<[1], [0], [0], [1], [0, 0, 1, 1], [], []>, transpose_lhs_hint = false} : vector<3136x64xf32>, vector<64x128xf32>, vector<3136x128xf32> -> vector<3136x128xf32>
    %add3A_28 = arith.addf %broadcast_in_dim3A_20, %dot_general3A_27 : vector<3136x128xf32>
    %slice3A_29 = vector.extract_strided_slice %pad3A_19 {offsets = [0, 1, 0], sizes = [56, 56, 64], strides = [1, 1, 1]} : vector<57x57x64xf32> to vector<56x56x64xf32>
    %reshape3A_30 = vector.shape_cast %slice3A_29 : vector<56x56x64xf32> to vector<3136x64xf32>
    %get3A_31 = arith.constant 1 : index
    %get3A_32 = arith.constant 0 : index
    %get3A_33 = arith.constant 0 : index
    %get3A_34 = vector.load %arg3[%get3A_31, %get3A_32, %get3A_33] : memref<4x64x128xf32, #tpu.memory_space<vmem>>, vector<1x64x128xf32>
    %get3A_35 = vector.shape_cast %get3A_34 : vector<1x64x128xf32> to vector<64x128xf32>
    %dot_general3A_36 = arith.constant dense<0.000000e+00> : vector<3136x128xf32>
    %dot_general3A_37 = tpu.matmul %reshape3A_30, %get3A_35, %dot_general3A_36 {dimension_numbers = #tpu.dot_dimension_numbers<[1], [0], [0], [1], [0, 0, 1, 1], [], []>, transpose_lhs_hint = false} : vector<3136x64xf32>, vector<64x128xf32>, vector<3136x128xf32> -> vector<3136x128xf32>
    %add3A_38 = arith.addf %add3A_28, %dot_general3A_37 : vector<3136x128xf32>
    %slice3A_39 = vector.extract_strided_slice %pad3A_19 {offsets = [1, 0, 0], sizes = [56, 56, 64], strides = [1, 1, 1]} : vector<57x57x64xf32> to vector<56x56x64xf32>
    %reshape3A_40 = vector.shape_cast %slice3A_39 : vector<56x56x64xf32> to vector<3136x64xf32>
    %get3A_41 = arith.constant 2 : index
    %get3A_42 = arith.constant 0 : index
    %get3A_43 = arith.constant 0 : index
    %get3A_44 = vector.load %arg3[%get3A_41, %get3A_42, %get3A_43] : memref<4x64x128xf32, #tpu.memory_space<vmem>>, vector<1x64x128xf32>
    %get3A_45 = vector.shape_cast %get3A_44 : vector<1x64x128xf32> to vector<64x128xf32>
    %dot_general3A_46 = arith.constant dense<0.000000e+00> : vector<3136x128xf32>
    %dot_general3A_47 = tpu.matmul %reshape3A_40, %get3A_45, %dot_general3A_46 {dimension_numbers = #tpu.dot_dimension_numbers<[1], [0], [0], [1], [0, 0, 1, 1], [], []>, transpose_lhs_hint = false} : vector<3136x64xf32>, vector<64x128xf32>, vector<3136x128xf32> -> vector<3136x128xf32>
    %add3A_48 = arith.addf %add3A_38, %dot_general3A_47 : vector<3136x128xf32>
    %slice3A_49 = vector.extract_strided_slice %pad3A_19 {offsets = [1, 1, 0], sizes = [56, 56, 64], strides = [1, 1, 1]} : vector<57x57x64xf32> to vector<56x56x64xf32>
    %reshape3A_50 = vector.shape_cast %slice3A_49 : vector<56x56x64xf32> to vector<3136x64xf32>
    %get3A_51 = arith.constant 3 : index
    %get3A_52 = arith.constant 0 : index
    %get3A_53 = arith.constant 0 : index
    %get3A_54 = vector.load %arg3[%get3A_51, %get3A_52, %get3A_53] : memref<4x64x128xf32, #tpu.memory_space<vmem>>, vector<1x64x128xf32>
    %get3A_55 = vector.shape_cast %get3A_54 : vector<1x64x128xf32> to vector<64x128xf32>
    %dot_general3A_56 = arith.constant dense<0.000000e+00> : vector<3136x128xf32>
    %dot_general3A_57 = tpu.matmul %reshape3A_50, %get3A_55, %dot_general3A_56 {dimension_numbers = #tpu.dot_dimension_numbers<[1], [0], [0], [1], [0, 0, 1, 1], [], []>, transpose_lhs_hint = false} : vector<3136x64xf32>, vector<64x128xf32>, vector<3136x128xf32> -> vector<3136x128xf32>
    %add3A_58 = arith.addf %add3A_48, %dot_general3A_57 : vector<3136x128xf32>
    %get3A_59 = arith.constant 0 : index
    %get3A_60 = arith.constant 0 : index
    %get3A_61 = vector.load %arg4[%get3A_59, %get3A_60] : memref<1x128xf32, #tpu.memory_space<vmem>>, vector<1x128xf32>
    %get3A_62 = vector.shape_cast %get3A_61 : vector<1x128xf32> to vector<128xf32>
    %broadcast_in_dim3A_63 = vector.shape_cast %get3A_62 : vector<128xf32> to vector<1x128xf32>
    %add3A_64 = vector.broadcast %broadcast_in_dim3A_63 : vector<1x128xf32> to vector<3136x128xf32>
    %add3A_65 = arith.addf %add3A_58, %add3A_64 : vector<3136x128xf32>
    %max3A = arith.constant 0.000000e+00 : f32
    %max3A_66 = vector.broadcast %max3A : f32 to vector<3136x128xf32>
    %max3A_67 = arith.maximumf %add3A_65, %max3A_66 : vector<3136x128xf32>
    %reshape3A_68 = vector.shape_cast %max3A_67 : vector<3136x128xf32> to vector<56x56x128xf32>
    %jit3A_69 = arith.constant 0 : i32
    %convert_element_type3A_70 = arith.sitofp %jit3A_69 : i32 to f32
    %pad3A_71 = vector.broadcast %convert_element_type3A_70 : f32 to vector<1x56x128xf32>
    %pad3A_72 = tpu.concatenate %pad3A_71, %reshape3A_68 in 0 : vector<1x56x128xf32>, vector<56x56x128xf32> -> vector<57x56x128xf32>
    %pad3A_73 = vector.broadcast %convert_element_type3A_70 : f32 to vector<57x1x128xf32>
    %pad3A_74 = tpu.concatenate %pad3A_73, %pad3A_72 in 1 : vector<57x1x128xf32>, vector<57x56x128xf32> -> vector<57x57x128xf32>
    %broadcast_in_dim3A_75 = arith.constant 0.000000e+00 : f32
    %broadcast_in_dim3A_76 = vector.broadcast %broadcast_in_dim3A_75 : f32 to vector<3136x256xf32>
    %slice3A_77 = vector.extract_strided_slice %pad3A_74 {offsets = [0, 0, 0], sizes = [56, 56, 128], strides = [1, 1, 1]} : vector<57x57x128xf32> to vector<56x56x128xf32>
    %reshape3A_78 = vector.shape_cast %slice3A_77 : vector<56x56x128xf32> to vector<3136x128xf32>
    %get3A_79 = arith.constant 0 : index
    %get3A_80 = arith.constant 0 : index
    %get3A_81 = arith.constant 0 : index
    %get3A_82 = vector.load %arg5[%get3A_79, %get3A_80, %get3A_81] : memref<4x128x256xf32, #tpu.memory_space<vmem>>, vector<1x128x256xf32>
    %get3A_83 = vector.shape_cast %get3A_82 : vector<1x128x256xf32> to vector<128x256xf32>
    %dot_general3A_84 = arith.constant dense<0.000000e+00> : vector<3136x256xf32>
    %dot_general3A_85 = tpu.matmul %reshape3A_78, %get3A_83, %dot_general3A_84 {dimension_numbers = #tpu.dot_dimension_numbers<[1], [0], [0], [1], [0, 0, 1, 1], [], []>, transpose_lhs_hint = false} : vector<3136x128xf32>, vector<128x256xf32>, vector<3136x256xf32> -> vector<3136x256xf32>
    %add3A_86 = arith.addf %broadcast_in_dim3A_76, %dot_general3A_85 : vector<3136x256xf32>
    %slice3A_87 = vector.extract_strided_slice %pad3A_74 {offsets = [0, 1, 0], sizes = [56, 56, 128], strides = [1, 1, 1]} : vector<57x57x128xf32> to vector<56x56x128xf32>
    %reshape3A_88 = vector.shape_cast %slice3A_87 : vector<56x56x128xf32> to vector<3136x128xf32>
    %get3A_89 = arith.constant 1 : index
    %get3A_90 = arith.constant 0 : index
    %get3A_91 = arith.constant 0 : index
    %get3A_92 = vector.load %arg5[%get3A_89, %get3A_90, %get3A_91] : memref<4x128x256xf32, #tpu.memory_space<vmem>>, vector<1x128x256xf32>
    %get3A_93 = vector.shape_cast %get3A_92 : vector<1x128x256xf32> to vector<128x256xf32>
    %dot_general3A_94 = arith.constant dense<0.000000e+00> : vector<3136x256xf32>
    %dot_general3A_95 = tpu.matmul %reshape3A_88, %get3A_93, %dot_general3A_94 {dimension_numbers = #tpu.dot_dimension_numbers<[1], [0], [0], [1], [0, 0, 1, 1], [], []>, transpose_lhs_hint = false} : vector<3136x128xf32>, vector<128x256xf32>, vector<3136x256xf32> -> vector<3136x256xf32>
    %add3A_96 = arith.addf %add3A_86, %dot_general3A_95 : vector<3136x256xf32>
    %slice3A_97 = vector.extract_strided_slice %pad3A_74 {offsets = [1, 0, 0], sizes = [56, 56, 128], strides = [1, 1, 1]} : vector<57x57x128xf32> to vector<56x56x128xf32>
    %reshape3A_98 = vector.shape_cast %slice3A_97 : vector<56x56x128xf32> to vector<3136x128xf32>
    %get3A_99 = arith.constant 2 : index
    %get3A_100 = arith.constant 0 : index
    %get3A_101 = arith.constant 0 : index
    %get3A_102 = vector.load %arg5[%get3A_99, %get3A_100, %get3A_101] : memref<4x128x256xf32, #tpu.memory_space<vmem>>, vector<1x128x256xf32>
    %get3A_103 = vector.shape_cast %get3A_102 : vector<1x128x256xf32> to vector<128x256xf32>
    %dot_general3A_104 = arith.constant dense<0.000000e+00> : vector<3136x256xf32>
    %dot_general3A_105 = tpu.matmul %reshape3A_98, %get3A_103, %dot_general3A_104 {dimension_numbers = #tpu.dot_dimension_numbers<[1], [0], [0], [1], [0, 0, 1, 1], [], []>, transpose_lhs_hint = false} : vector<3136x128xf32>, vector<128x256xf32>, vector<3136x256xf32> -> vector<3136x256xf32>
    %add3A_106 = arith.addf %add3A_96, %dot_general3A_105 : vector<3136x256xf32>
    %slice3A_107 = vector.extract_strided_slice %pad3A_74 {offsets = [1, 1, 0], sizes = [56, 56, 128], strides = [1, 1, 1]} : vector<57x57x128xf32> to vector<56x56x128xf32>
    %reshape3A_108 = vector.shape_cast %slice3A_107 : vector<56x56x128xf32> to vector<3136x128xf32>
    %get3A_109 = arith.constant 3 : index
    %get3A_110 = arith.constant 0 : index
    %get3A_111 = arith.constant 0 : index
    %get3A_112 = vector.load %arg5[%get3A_109, %get3A_110, %get3A_111] : memref<4x128x256xf32, #tpu.memory_space<vmem>>, vector<1x128x256xf32>
    %get3A_113 = vector.shape_cast %get3A_112 : vector<1x128x256xf32> to vector<128x256xf32>
    %dot_general3A_114 = arith.constant dense<0.000000e+00> : vector<3136x256xf32>
    %dot_general3A_115 = tpu.matmul %reshape3A_108, %get3A_113, %dot_general3A_114 {dimension_numbers = #tpu.dot_dimension_numbers<[1], [0], [0], [1], [0, 0, 1, 1], [], []>, transpose_lhs_hint = false} : vector<3136x128xf32>, vector<128x256xf32>, vector<3136x256xf32> -> vector<3136x256xf32>
    %add3A_116 = arith.addf %add3A_106, %dot_general3A_115 : vector<3136x256xf32>
    %get3A_117 = arith.constant 0 : index
    %get3A_118 = arith.constant 0 : index
    %get3A_119 = vector.load %arg6[%get3A_117, %get3A_118] : memref<1x256xf32, #tpu.memory_space<vmem>>, vector<1x256xf32>
    %get3A_120 = vector.shape_cast %get3A_119 : vector<1x256xf32> to vector<256xf32>
    %broadcast_in_dim3A_121 = vector.shape_cast %get3A_120 : vector<256xf32> to vector<1x256xf32>
    %add3A_122 = vector.broadcast %broadcast_in_dim3A_121 : vector<1x256xf32> to vector<3136x256xf32>
    %add3A_123 = arith.addf %add3A_116, %add3A_122 : vector<3136x256xf32>
    %max3A_124 = arith.constant 0.000000e+00 : f32
    %max3A_125 = vector.broadcast %max3A_124 : f32 to vector<3136x256xf32>
    %max3A_126 = arith.maximumf %add3A_123, %max3A_125 : vector<3136x256xf32>
    %reshape3A_127 = vector.shape_cast %max3A_126 : vector<3136x256xf32> to vector<56x56x256xf32>
    %jit3A_128 = arith.constant 0 : i32
    %convert_element_type3A_129 = arith.sitofp %jit3A_128 : i32 to f32
    %pad3A_130 = vector.broadcast %convert_element_type3A_129 : f32 to vector<1x56x256xf32>
    %pad3A_131 = tpu.concatenate %pad3A_130, %reshape3A_127 in 0 : vector<1x56x256xf32>, vector<56x56x256xf32> -> vector<57x56x256xf32>
    %pad3A_132 = vector.broadcast %convert_element_type3A_129 : f32 to vector<1x56x256xf32>
    %pad3A_133 = tpu.concatenate %pad3A_131, %pad3A_132 in 0 : vector<57x56x256xf32>, vector<1x56x256xf32> -> vector<58x56x256xf32>
    %pad3A_134 = vector.broadcast %convert_element_type3A_129 : f32 to vector<58x1x256xf32>
    %pad3A_135 = tpu.concatenate %pad3A_134, %pad3A_133 in 1 : vector<58x1x256xf32>, vector<58x56x256xf32> -> vector<58x57x256xf32>
    %pad3A_136 = vector.broadcast %convert_element_type3A_129 : f32 to vector<58x1x256xf32>
    %pad3A_137 = tpu.concatenate %pad3A_135, %pad3A_136 in 1 : vector<58x57x256xf32>, vector<58x1x256xf32> -> vector<58x58x256xf32>
    %broadcast_in_dim3A_138 = arith.constant 0.000000e+00 : f32
    %broadcast_in_dim3A_139 = vector.broadcast %broadcast_in_dim3A_138 : f32 to vector<3136x16xf32>
    %slice3A_140 = vector.extract_strided_slice %pad3A_137 {offsets = [0, 0, 0], sizes = [56, 56, 256], strides = [1, 1, 1]} : vector<58x58x256xf32> to vector<56x56x256xf32>
    %reshape3A_141 = vector.shape_cast %slice3A_140 : vector<56x56x256xf32> to vector<3136x256xf32>
    %get3A_142 = arith.constant 0 : index
    %get3A_143 = arith.constant 0 : index
    %get3A_144 = arith.constant 0 : index
    %get3A_145 = vector.load %arg7[%get3A_142, %get3A_143, %get3A_144] : memref<9x256x16xf32, #tpu.memory_space<vmem>>, vector<1x256x16xf32>
    %get3A_146 = vector.shape_cast %get3A_145 : vector<1x256x16xf32> to vector<256x16xf32>
    %dot_general3A_147 = arith.constant dense<0.000000e+00> : vector<3136x16xf32>
    %dot_general3A_148 = tpu.matmul %reshape3A_141, %get3A_146, %dot_general3A_147 {dimension_numbers = #tpu.dot_dimension_numbers<[1], [0], [0], [1], [0, 0, 1, 1], [], []>, transpose_lhs_hint = false} : vector<3136x256xf32>, vector<256x16xf32>, vector<3136x16xf32> -> vector<3136x16xf32>
    %add3A_149 = arith.addf %broadcast_in_dim3A_139, %dot_general3A_148 : vector<3136x16xf32>
    %slice3A_150 = vector.extract_strided_slice %pad3A_137 {offsets = [0, 1, 0], sizes = [56, 56, 256], strides = [1, 1, 1]} : vector<58x58x256xf32> to vector<56x56x256xf32>
    %reshape3A_151 = vector.shape_cast %slice3A_150 : vector<56x56x256xf32> to vector<3136x256xf32>
    %get3A_152 = arith.constant 1 : index
    %get3A_153 = arith.constant 0 : index
    %get3A_154 = arith.constant 0 : index
    %get3A_155 = vector.load %arg7[%get3A_152, %get3A_153, %get3A_154] : memref<9x256x16xf32, #tpu.memory_space<vmem>>, vector<1x256x16xf32>
    %get3A_156 = vector.shape_cast %get3A_155 : vector<1x256x16xf32> to vector<256x16xf32>
    %dot_general3A_157 = arith.constant dense<0.000000e+00> : vector<3136x16xf32>
    %dot_general3A_158 = tpu.matmul %reshape3A_151, %get3A_156, %dot_general3A_157 {dimension_numbers = #tpu.dot_dimension_numbers<[1], [0], [0], [1], [0, 0, 1, 1], [], []>, transpose_lhs_hint = false} : vector<3136x256xf32>, vector<256x16xf32>, vector<3136x16xf32> -> vector<3136x16xf32>
    %add3A_159 = arith.addf %add3A_149, %dot_general3A_158 : vector<3136x16xf32>
    %slice3A_160 = vector.extract_strided_slice %pad3A_137 {offsets = [0, 2, 0], sizes = [56, 56, 256], strides = [1, 1, 1]} : vector<58x58x256xf32> to vector<56x56x256xf32>
    %reshape3A_161 = vector.shape_cast %slice3A_160 : vector<56x56x256xf32> to vector<3136x256xf32>
    %get3A_162 = arith.constant 2 : index
    %get3A_163 = arith.constant 0 : index
    %get3A_164 = arith.constant 0 : index
    %get3A_165 = vector.load %arg7[%get3A_162, %get3A_163, %get3A_164] : memref<9x256x16xf32, #tpu.memory_space<vmem>>, vector<1x256x16xf32>
    %get3A_166 = vector.shape_cast %get3A_165 : vector<1x256x16xf32> to vector<256x16xf32>
    %dot_general3A_167 = arith.constant dense<0.000000e+00> : vector<3136x16xf32>
    %dot_general3A_168 = tpu.matmul %reshape3A_161, %get3A_166, %dot_general3A_167 {dimension_numbers = #tpu.dot_dimension_numbers<[1], [0], [0], [1], [0, 0, 1, 1], [], []>, transpose_lhs_hint = false} : vector<3136x256xf32>, vector<256x16xf32>, vector<3136x16xf32> -> vector<3136x16xf32>
    %add3A_169 = arith.addf %add3A_159, %dot_general3A_168 : vector<3136x16xf32>
    %slice3A_170 = vector.extract_strided_slice %pad3A_137 {offsets = [1, 0, 0], sizes = [56, 56, 256], strides = [1, 1, 1]} : vector<58x58x256xf32> to vector<56x56x256xf32>
    %reshape3A_171 = vector.shape_cast %slice3A_170 : vector<56x56x256xf32> to vector<3136x256xf32>
    %get3A_172 = arith.constant 3 : index
    %get3A_173 = arith.constant 0 : index
    %get3A_174 = arith.constant 0 : index
    %get3A_175 = vector.load %arg7[%get3A_172, %get3A_173, %get3A_174] : memref<9x256x16xf32, #tpu.memory_space<vmem>>, vector<1x256x16xf32>
    %get3A_176 = vector.shape_cast %get3A_175 : vector<1x256x16xf32> to vector<256x16xf32>
    %dot_general3A_177 = arith.constant dense<0.000000e+00> : vector<3136x16xf32>
    %dot_general3A_178 = tpu.matmul %reshape3A_171, %get3A_176, %dot_general3A_177 {dimension_numbers = #tpu.dot_dimension_numbers<[1], [0], [0], [1], [0, 0, 1, 1], [], []>, transpose_lhs_hint = false} : vector<3136x256xf32>, vector<256x16xf32>, vector<3136x16xf32> -> vector<3136x16xf32>
    %add3A_179 = arith.addf %add3A_169, %dot_general3A_178 : vector<3136x16xf32>
    %slice3A_180 = vector.extract_strided_slice %pad3A_137 {offsets = [1, 1, 0], sizes = [56, 56, 256], strides = [1, 1, 1]} : vector<58x58x256xf32> to vector<56x56x256xf32>
    %reshape3A_181 = vector.shape_cast %slice3A_180 : vector<56x56x256xf32> to vector<3136x256xf32>
    %get3A_182 = arith.constant 4 : index
    %get3A_183 = arith.constant 0 : index
    %get3A_184 = arith.constant 0 : index
    %get3A_185 = vector.load %arg7[%get3A_182, %get3A_183, %get3A_184] : memref<9x256x16xf32, #tpu.memory_space<vmem>>, vector<1x256x16xf32>
    %get3A_186 = vector.shape_cast %get3A_185 : vector<1x256x16xf32> to vector<256x16xf32>
    %dot_general3A_187 = arith.constant dense<0.000000e+00> : vector<3136x16xf32>
    %dot_general3A_188 = tpu.matmul %reshape3A_181, %get3A_186, %dot_general3A_187 {dimension_numbers = #tpu.dot_dimension_numbers<[1], [0], [0], [1], [0, 0, 1, 1], [], []>, transpose_lhs_hint = false} : vector<3136x256xf32>, vector<256x16xf32>, vector<3136x16xf32> -> vector<3136x16xf32>
    %add3A_189 = arith.addf %add3A_179, %dot_general3A_188 : vector<3136x16xf32>
    %slice3A_190 = vector.extract_strided_slice %pad3A_137 {offsets = [1, 2, 0], sizes = [56, 56, 256], strides = [1, 1, 1]} : vector<58x58x256xf32> to vector<56x56x256xf32>
    %reshape3A_191 = vector.shape_cast %slice3A_190 : vector<56x56x256xf32> to vector<3136x256xf32>
    %get3A_192 = arith.constant 5 : index
    %get3A_193 = arith.constant 0 : index
    %get3A_194 = arith.constant 0 : index
    %get3A_195 = vector.load %arg7[%get3A_192, %get3A_193, %get3A_194] : memref<9x256x16xf32, #tpu.memory_space<vmem>>, vector<1x256x16xf32>
    %get3A_196 = vector.shape_cast %get3A_195 : vector<1x256x16xf32> to vector<256x16xf32>
    %dot_general3A_197 = arith.constant dense<0.000000e+00> : vector<3136x16xf32>
    %dot_general3A_198 = tpu.matmul %reshape3A_191, %get3A_196, %dot_general3A_197 {dimension_numbers = #tpu.dot_dimension_numbers<[1], [0], [0], [1], [0, 0, 1, 1], [], []>, transpose_lhs_hint = false} : vector<3136x256xf32>, vector<256x16xf32>, vector<3136x16xf32> -> vector<3136x16xf32>
    %add3A_199 = arith.addf %add3A_189, %dot_general3A_198 : vector<3136x16xf32>
    %slice3A_200 = vector.extract_strided_slice %pad3A_137 {offsets = [2, 0, 0], sizes = [56, 56, 256], strides = [1, 1, 1]} : vector<58x58x256xf32> to vector<56x56x256xf32>
    %reshape3A_201 = vector.shape_cast %slice3A_200 : vector<56x56x256xf32> to vector<3136x256xf32>
    %get3A_202 = arith.constant 6 : index
    %get3A_203 = arith.constant 0 : index
    %get3A_204 = arith.constant 0 : index
    %get3A_205 = vector.load %arg7[%get3A_202, %get3A_203, %get3A_204] : memref<9x256x16xf32, #tpu.memory_space<vmem>>, vector<1x256x16xf32>
    %get3A_206 = vector.shape_cast %get3A_205 : vector<1x256x16xf32> to vector<256x16xf32>
    %dot_general3A_207 = arith.constant dense<0.000000e+00> : vector<3136x16xf32>
    %dot_general3A_208 = tpu.matmul %reshape3A_201, %get3A_206, %dot_general3A_207 {dimension_numbers = #tpu.dot_dimension_numbers<[1], [0], [0], [1], [0, 0, 1, 1], [], []>, transpose_lhs_hint = false} : vector<3136x256xf32>, vector<256x16xf32>, vector<3136x16xf32> -> vector<3136x16xf32>
    %add3A_209 = arith.addf %add3A_199, %dot_general3A_208 : vector<3136x16xf32>
    %slice3A_210 = vector.extract_strided_slice %pad3A_137 {offsets = [2, 1, 0], sizes = [56, 56, 256], strides = [1, 1, 1]} : vector<58x58x256xf32> to vector<56x56x256xf32>
    %reshape3A_211 = vector.shape_cast %slice3A_210 : vector<56x56x256xf32> to vector<3136x256xf32>
    %get3A_212 = arith.constant 7 : index
    %get3A_213 = arith.constant 0 : index
    %get3A_214 = arith.constant 0 : index
    %get3A_215 = vector.load %arg7[%get3A_212, %get3A_213, %get3A_214] : memref<9x256x16xf32, #tpu.memory_space<vmem>>, vector<1x256x16xf32>
    %get3A_216 = vector.shape_cast %get3A_215 : vector<1x256x16xf32> to vector<256x16xf32>
    %dot_general3A_217 = arith.constant dense<0.000000e+00> : vector<3136x16xf32>
    %dot_general3A_218 = tpu.matmul %reshape3A_211, %get3A_216, %dot_general3A_217 {dimension_numbers = #tpu.dot_dimension_numbers<[1], [0], [0], [1], [0, 0, 1, 1], [], []>, transpose_lhs_hint = false} : vector<3136x256xf32>, vector<256x16xf32>, vector<3136x16xf32> -> vector<3136x16xf32>
    %add3A_219 = arith.addf %add3A_209, %dot_general3A_218 : vector<3136x16xf32>
    %slice3A_220 = vector.extract_strided_slice %pad3A_137 {offsets = [2, 2, 0], sizes = [56, 56, 256], strides = [1, 1, 1]} : vector<58x58x256xf32> to vector<56x56x256xf32>
    %reshape3A_221 = vector.shape_cast %slice3A_220 : vector<56x56x256xf32> to vector<3136x256xf32>
    %get3A_222 = arith.constant 8 : index
    %get3A_223 = arith.constant 0 : index
    %get3A_224 = arith.constant 0 : index
    %get3A_225 = vector.load %arg7[%get3A_222, %get3A_223, %get3A_224] : memref<9x256x16xf32, #tpu.memory_space<vmem>>, vector<1x256x16xf32>
    %get3A_226 = vector.shape_cast %get3A_225 : vector<1x256x16xf32> to vector<256x16xf32>
    %dot_general3A_227 = arith.constant dense<0.000000e+00> : vector<3136x16xf32>
    %dot_general3A_228 = tpu.matmul %reshape3A_221, %get3A_226, %dot_general3A_227 {dimension_numbers = #tpu.dot_dimension_numbers<[1], [0], [0], [1], [0, 0, 1, 1], [], []>, transpose_lhs_hint = false} : vector<3136x256xf32>, vector<256x16xf32>, vector<3136x16xf32> -> vector<3136x16xf32>
    %add3A_229 = arith.addf %add3A_219, %dot_general3A_228 : vector<3136x16xf32>
    %get3A_230 = arith.constant 0 : index
    %get3A_231 = arith.constant 0 : index
    %get3A_232 = vector.load %arg8[%get3A_230, %get3A_231] : memref<1x16xf32, #tpu.memory_space<vmem>>, vector<1x16xf32>
    %get3A_233 = vector.shape_cast %get3A_232 : vector<1x16xf32> to vector<16xf32>
    %broadcast_in_dim3A_234 = vector.shape_cast %get3A_233 : vector<16xf32> to vector<1x16xf32>
    %add3A_235 = vector.broadcast %broadcast_in_dim3A_234 : vector<1x16xf32> to vector<3136x16xf32>
    %add3A_236 = arith.addf %add3A_229, %add3A_235 : vector<3136x16xf32>
    %reshape3A_237 = vector.shape_cast %add3A_236 : vector<3136x16xf32> to vector<56x56x16xf32>
    %swap3A_238 = arith.constant 0 : index
    %swap3A_239 = arith.constant 0 : index
    %swap3A_240 = arith.constant 0 : index
    %swap3A_241 = arith.constant 0 : index
    %swap3A_242 = vector.load %arg9[%swap3A_238, %swap3A_239, %swap3A_240, %swap3A_241] : memref<1x56x56x16xf32, #tpu.memory_space<vmem>>, vector<1x56x56x16xf32>
    %swap3A_243 = vector.shape_cast %swap3A_242 : vector<1x56x56x16xf32> to vector<56x56x16xf32>
    %swap3A_244 = vector.shape_cast %reshape3A_237 : vector<56x56x16xf32> to vector<1x56x56x16xf32>
    tpu.vector_store %arg9[%swap3A_238, %swap3A_239, %swap3A_240, %swap3A_241], %swap3A_244 {strides = array<i32>} : memref<1x56x56x16xf32, #tpu.memory_space<vmem>>, vector<1x56x56x16xf32>,
    return
  }
  func.func @transform_0(%arg0: i32) -> (i32, i32, i32, i32) {
    %c0_i32 = arith.constant 0 : i32
    %c0_i32_0 = arith.constant 0 : i32
    %c0_i32_1 = arith.constant 0 : i32
    %c0_i32_2 = arith.constant 0 : i32
    return %arg0, %c0_i32, %c0_i32_0, %c0_i32_1 : i32, i32, i32, i32
  }
  func.func @transform_1(%arg0: i32) -> (i32, i32, i32, i32) {
    %c0_i32 = arith.constant 0 : i32
    %c0_i32_0 = arith.constant 0 : i32
    %c0_i32_1 = arith.constant 0 : i32
    %c0_i32_2 = arith.constant 0 : i32
    return %arg0, %c0_i32, %c0_i32_0, %c0_i32_1 : i32, i32, i32, i32
  }
  func.func @transform_2(%arg0: i32) -> (i32, i32, i32) {
    %c0_i32 = arith.constant 0 : i32
    %c0_i32_0 = arith.constant 0 : i32
    %c0_i32_1 = arith.constant 0 : i32
    %c0_i32_2 = arith.constant 0 : i32
    return %c0_i32, %c0_i32_0, %c0_i32_1 : i32, i32, i32
  }
  func.func @transform_3(%arg0: i32) -> (i32, i32) {
    %c0_i32 = arith.constant 0 : i32
    %c0_i32_0 = arith.constant 0 : i32
    %c0_i32_1 = arith.constant 0 : i32
    return %c0_i32, %c0_i32_0 : i32, i32
  }
  func.func @transform_4(%arg0: i32) -> (i32, i32, i32) {
    %c0_i32 = arith.constant 0 : i32
    %c0_i32_0 = arith.constant 0 : i32
    %c0_i32_1 = arith.constant 0 : i32
    %c0_i32_2 = arith.constant 0 : i32
    return %c0_i32, %c0_i32_0, %c0_i32_1 : i32, i32, i32
  }
  func.func @transform_5(%arg0: i32) -> (i32, i32) {
    %c0_i32 = arith.constant 0 : i32
    %c0_i32_0 = arith.constant 0 : i32
    %c0_i32_1 = arith.constant 0 : i32
    return %c0_i32, %c0_i32_0 : i32, i32
  }
  func.func @transform_6(%arg0: i32) -> (i32, i32, i32) {
    %c0_i32 = arith.constant 0 : i32
    %c0_i32_0 = arith.constant 0 : i32
    %c0_i32_1 = arith.constant 0 : i32
    %c0_i32_2 = arith.constant 0 : i32
    return %c0_i32, %c0_i32_0, %c0_i32_1 : i32, i32, i32
  }
  func.func @transform_7(%arg0: i32) -> (i32, i32) {
    %c0_i32 = arith.constant 0 : i32
    %c0_i32_0 = arith.constant 0 : i32
    %c0_i32_1 = arith.constant 0 : i32
    return %c0_i32, %c0_i32_0 : i32, i32
  }
  func.func @transform_8(%arg0: i32) -> (i32, i32, i32, i32) {
    %c0_i32 = arith.constant 0 : i32
    %c0_i32_0 = arith.constant 0 : i32
    %c0_i32_1 = arith.constant 0 : i32
    %c0_i32_2 = arith.constant 0 : i32
    return %arg0, %c0_i32, %c0_i32_0, %c0_i32_1 : i32, i32, i32, i32
  }
  func.func @transform_9(%arg0: i32) -> (i32, i32, i32, i32) {
    %c0_i32 = arith.constant 0 : i32
    %c0_i32_0 = arith.constant 0 : i32
    %c0_i32_1 = arith.constant 0 : i32
    %c0_i32_2 = arith.constant 0 : i32
    return %arg0, %c0_i32, %c0_i32_0, %c0_i32_1 : i32, i32, i32, i32
  }
}

</mosaic_0001>

<sc_bundles>
// kernel: kernel.5.cloned.1.call-start
scs
__scs_entry_jumppad:
0x0: {  	(pc) =	sbr.rel $0x88, $3  }
0x1: {  	(tag) =	ssettag $0x0;
	lr =	simm.s32 $0x1  }
0x2: {  	[smem:$0x3F93] =	sst lr;
	_ =	strace $0xD0000000  }
0x3: {  	_ = 	snop  }
0x4: {  	_ = 	snop  }
0x5: {  	_ = 	snop  }
0x6: {  	_ = 	snop  }
0x7: {  	_ = 	snop  }
__scs_overlays_trampoline_lowered:
0x8: {  	[smem:$0x3FA2] =	sst s0  }
0x9: {  	[smem:$0x3FA3] =	sst s1  }
0xa: {  	[smem:$0x3FA4] =	sst s2  }
0xb: {  	[smem:$0x3FA5] =	sst s3  }
0xc: {  	[smem:$0x3FA6] =	sst s4  }
0xd: {  	[smem:$0x3FA7] =	sst s5  }
0xe: {  	[smem:$0x3FA8] =	sst s6  }
0xf: {  	[smem:$0x3FA9] =	sst s7  }
0x10: {  	[smem:$0x3FAA] =	sst s8  }
0x11: {  	[smem:$0x3FAB] =	sst s9;
	s0 =	simm.s32 @!p0 $0x0  }
0x12: {  	s1 =	sld [smem:$0x3F91];
	s0 =	simm.s32 @p0 $0x1  }
0x13: {  	[smem:$0x3FAC] =	sst s0;
	s0 =	simm.s32 @!p1 $0x0  }
0x14: {  	s2 =	sld [smem:$0x3F90];
	s0 =	simm.s32 @p1 $0x1  }
0x15: {  	[smem:$0x3FAD] =	sst s0;
	s0 =	simm.s32 @!p2 $0x0  }
0x16: {  	s3 =	sld [smem:$0x3FDB];
	s0 =	simm.s32 @p2 $0x1  }
0x17: {  	s4 =	simm.s32 $0x1BF5;
	[smem:$0x3FAF] =	sst s0  }
0x18: {  	s0 =	sld [smem:$0x3F92];
	_ =	swait.ge [sflag:s4], $0x0  }
0x19: {  	s7 =	sld [smem:$0x3F93]  }
0x1a: {  	s8 =	sadd.s32 $0xFFFFE003, lr  }
0x1b: {  	s9 =	sadd.s32 $0xFFFFFEF7, lr;
	s5 =	simm.s32 $0xFFFFFFFF;
	p2 =	slt.u32 s8, $0xFFFFF086  }
0x1c: {  	p1 =	slt.u32 s9, $0xF7A;
	s5 =	simm.s32 @!p2 $0x0  }
0x1d: {  	s5 =	simm.s32 @p1 $0x1;
	p0 =	seq.s32 s7, s2  }
0x1e: {  	s7 =	smul.u32 @!p0 $0xF7A, s2;
	p2 =	seq.s32 @!p0 s5, $0x0  }
0x1f: {  	s9 =	smul.u32 $0xF7A, s1;
	s8 =	simm.s32 @!p0 $0x1BF5;
	p2 =	por !p2, p0  }
0x20: {  	[sflag:s8] =	ssyncset.s32 @!p0 $0xFFFFF086;
	s6 =	sadd.s32 @!p0 s3, s7;
	s7 =	simm.s32 @!p0 $0x108  }
0x21: {  	s3 =	sadd.s32 s3, s9;
	s6 =	sadd.s32 @!p0 $0x88, s6;
	s7 =	simm.s32 @p2 $0x1082  }
0x22: {  	[simem:s7], [sflag:s8] =	dma.local @!p0 [hbm:s6], $0xF7A  }
0x23: {  	s9 =	sor.u32 $0xD0000000, s2;
	s6 =	simm.s32 $0x108;
	_ =	swait.ge @!p0 [sflag:s8], $0x0  }
0x24: {  	s3 =	sadd.s32 $0x88, s3;
	s6 =	simm.s32 @!p1 $0x1082;
	[sflag:s4] =	ssyncset.s32 $0xFFFFF086  }
0x25: {  	[simem:s6], [sflag:s4] =	dma.local [hbm:s3], $0xF7A  }
0x26: {  	[smem:$0x3F93] =	sst s1;
	(tag) =	ssettag s2;
	_ =	strace s9  }
0x27: {  	s1 =	sld [smem:$0x3FA3]  }
0x28: {  	s2 =	sld [smem:$0x3FA4]  }
0x29: {  	s4 =	sld [smem:$0x3FA6]  }
0x2a: {  	p0 =	seq.s32 s5, $0x0;
	s5 =	sld [smem:$0x3FA7]  }
0x2b: {  	s6 =	sld [smem:$0x3FA8]  }
0x2c: {  	s7 =	sld [smem:$0x3FA9]  }
0x2d: {  	s3 =	simm.s32 $0x108;
	s8 =	sld [smem:$0x3FAA]  }
0x2e: {  	s3 =	simm.s32 @!p0 $0x1082;
	s9 =	sld [smem:$0x3FAB]  }
0x2f: {  	lr =	sadd.s32 s0, s3;
	s0 =	sld [smem:$0x3FA2]  }
0x30: {  	s3 =	sld [smem:$0x3FA5]  }
0x31: {  	[smem:$0x3FAE] =	sst s10  }
0x32: {  	s10 =	sld [smem:$0x3FAC];
	_ =	sdelay $0x3  }
0x33: {  	p0 =	seq.s32 s10, $0x1;
	s10 =	sld [smem:$0x3FAE];
	_ =	sdelay $0x3  }
0x34: {  	[smem:$0x3FAE] =	sst s10  }
0x35: {  	s10 =	sld [smem:$0x3FAD];
	_ =	sdelay $0x3  }
0x36: {  	p1 =	seq.s32 s10, $0x1;
	s10 =	sld [smem:$0x3FAE];
	_ =	sdelay $0x3  }
0x37: {  	[smem:$0x3FAE] =	sst s10  }
0x38: {  	s10 =	sld [smem:$0x3FAF]  }
0x39: {  	_ = 	snop;
	(pc) =	sbr.ind lr, $3  }
0x3a: {  	_ = 	snop  }
0x3b: {  	_ = 	snop  }
0x3c: {  	p2 =	seq.s32 s10, $0x1;
	s10 =	sld [smem:$0x3FAE]  }
0x3d: {  	_ =	shalt  }
0x3e: {  	_ =	shalt  }
0x3f: {  	_ =	shalt  }
0x40: {  	_ =	shalt  }
0x41: {  	_ =	shalt  }
0x42: {  	_ =	shalt  }
0x43: {  	_ =	shalt  }
0x44: {  	_ =	shalt  }
0x45: {  	_ =	shalt  }
0x46: {  	_ =	shalt  }
0x47: {  	_ =	shalt  }
0x48: {  	_ =	shalt  }
0x49: {  	_ =	shalt  }
0x4a: {  	_ =	shalt  }
0x4b: {  	_ =	shalt  }
0x4c: {  	_ =	shalt  }
0x4d: {  	_ =	shalt  }
0x4e: {  	_ =	shalt  }
0x4f: {  	_ =	shalt  }
0x50: {  	_ =	shalt  }
0x51: {  	_ =	shalt  }
0x52: {  	_ =	shalt  }
0x53: {  	_ =	shalt  }
0x54: {  	_ =	shalt  }
0x55: {  	_ =	shalt  }
0x56: {  	_ =	shalt  }
0x57: {  	_ =	shalt  }
0x58: {  	_ =	shalt  }
0x59: {  	_ =	shalt  }
0x5a: {  	_ =	shalt  }
0x5b: {  	_ =	shalt  }
0x5c: {  	_ =	shalt  }
0x5d: {  	_ =	shalt  }
0x5e: {  	_ =	shalt  }
0x5f: {  	_ =	shalt  }
0x60: {  	_ =	shalt  }
0x61: {  	_ =	shalt  }
0x62: {  	_ =	shalt  }
0x63: {  	_ =	shalt  }
0x64: {  	_ =	shalt  }
0x65: {  	_ =	shalt  }
0x66: {  	_ =	shalt  }
0x67: {  	_ =	shalt  }
0x68: {  	_ =	shalt  }
0x69: {  	_ =	shalt  }
0x6a: {  	_ =	shalt  }
0x6b: {  	_ =	shalt  }
0x6c: {  	_ =	shalt  }
0x6d: {  	_ =	shalt  }
0x6e: {  	_ =	shalt  }
0x6f: {  	_ =	shalt  }
0x70: {  	_ =	shalt  }
0x71: {  	_ =	shalt  }
0x72: {  	_ =	shalt  }
0x73: {  	_ =	shalt  }
0x74: {  	_ =	shalt  }
0x75: {  	_ =	shalt  }
0x76: {  	_ =	shalt  }
0x77: {  	_ =	shalt  }
0x78: {  	_ =	shalt  }
0x79: {  	_ =	shalt  }
0x7a: {  	_ =	shalt  }
0x7b: {  	_ =	shalt  }
0x7c: {  	_ =	shalt  }
0x7d: {  	_ =	shalt  }
0x7e: {  	_ =	shalt  }
0x7f: {  	_ =	shalt  }
0x80: {  	_ =	shalt  }
0x81: {  	_ =	shalt  }
0x82: {  	_ =	shalt  }
0x83: {  	_ =	shalt  }
0x84: {  	_ =	shalt  }
0x85: {  	_ =	shalt  }
0x86: {  	_ =	shalt  }
0x87: {  	_ =	shalt  }
.Lfunc_end0:
.L_simem_size_0:
called_computation_lowered:
.L_overlay_start_0:
0x88: {  	s2 =	sld [smem:$0x3FD9]  }
0x89: {  	s3 =	sld [smem:$0x3FFE];
	_ =	sdelay $0x1  }
0x8a: {  	s1 =	srdreg.scid  }
0x8b: {  	s0 =	sand.u32 $0x1, s1  }
0x8c: {  	s14 =	sshll.u32 s0, $0xA;
	s2 =	sadd.s32 s3, s2  }
0x8d: {  	s2 =	sadd.s32 s2, s14  }
0x8e: {  	[smem:$0x3FBA] =	sst s2  }
0x8f: {  	_ = 	snop  }
0x90: {  	s2 =	sld [smem:$0x3FD0];
	_ =	sdelay $0x2  }
0x91: {  	s15 =	simm.s32 $0xA;
	s4 =	simm.s32 $0x10  }
0x92: {  	[smem:s4], [sflag:s15] =	dma.local [hbm:s2], $0x1  }
0x93: {  	_ =	swait.eq [sflag:s15], $0x1  }
0x94: {  	[sflag:s15] =	ssyncset.done $0x0  }
0x95: {  	s16 =	sld [smem:$0x10];
	[sflag:s15] =	ssyncadd.s32 $0xFFFFFFFF  }
0x96: {  	s17 =	sld [smem:$0x12];
	(tm) =	ssettm $0x1  }
0x97: {  	s18 =	sld [smem:$0x3FFB];
	_ =	sdelay $0x3  }
0x98: {  	_ =	strace s18  }
0x99: {  	s4 =	sld [smem:$0x3FFC];
	_ =	sdelay $0x3  }
0x9a: {  	_ =	strace s4  }
0x9b: {  	s4 =	sld [smem:$0x3FFD];
	_ =	sdelay $0x3  }
0x9c: {  	_ =	strace s4  }
0x9d: {  	_ =	strace $0x8FFFFFFF  }
0x9e: {  	s19 =	sld [smem:$0x3FDB];
	_ =	sdelay $0x1  }
0x9f: {  	s5 =	simm.s32 $_scs_section_size  }
0xa0: {  	s6 =	simm.s32 $_size__tile_overlayer_lowered;
	s7 =	simm.s32 $_tile_overlayer_lowered  }
0xa1: {  	s22 =	simm.s32 $0x1BFF;
	s21 =	sshll.u32 s7, $0x1;
	s4 =	sadd.s32 s5, s19  }
0xa2: {  	s8 =	simm.s32 $0x0;
	s20 =	sshll.u32 s6, $0x1;
	s6 =	sadd.s32 s21, s4  }
0xa3: {  	[timem:s8], [sflag:s22] =	dma.local [hbm:s6], s20  }
0xa4: {  	_ =	swait.ge [sflag:s22], s20  }
0xa5: {  	s5 =	ssub.s32 $0x0, s20;
	[sflag:s22] =	ssyncset.done $0x0  }
0xa6: {  	[sflag:s22] =	ssyncadd.s32 s5;
	_ =	sdelay $0x1  }
0xa7: {  	s23 =	simm.s32 $0x1B8B  }
0xa8: {  	_ =	swait.ge [sflag:s23], $0x1  }
0xa9: {  	[sflag:s23] =	ssyncset.done $0x0  }
0xaa: {  	s25 =	simm.s32 $0x1B8E;
	s24 =	sld [smem:$0x3FFE];
	[sflag:s23] =	ssyncadd.s32 $0xFFFFFFFF  }
0xab: {  	s26 =	simm.s32 $execute0_lowered;
	[smem:$0x3FD2] =	sst s25  }
0xac: {  	s6 =	sshll.u32 s26, $0x1;
	_ =	strace $0x80000046;
	[dreg:$0x1] =	wrdreg $0xFFFFFFFF  }
0xad: {  	s28 =	simm.s32 $_size_execute0_lowered;
	s4 =	sadd.s32 s4, s6;
	[dreg:$0x0] =	wrdreg $0x0  }
0xae: {  	s6 =	sshll.u32 s28, $0x1;
	[dreg:$0x2] =	wrdreg s4  }
0xaf: {  	[dreg:$0x3] =	wrdreg s6  }
0xb0: {  	[dreg:$0x4] =	wrdreg $0xC0  }
0xb1: {  	_ =	task [dreg:s8], $0x5FFFF  }
0xb2: {  	[dreg:$0x1] =	wrdreg $0xFFFFFFFF  }
0xb3: {  	[dreg:$0x0] =	wrdreg $0x60  }
0xb4: {  	[dreg:$0x2] =	wrdreg s17  }
0xb5: {  	[dreg:$0x3] =	wrdreg s16  }
0xb6: {  	[dreg:$0x4] =	wrdreg s24  }
0xb7: {  	[dreg:$0x5] =	wrdreg $0x18B800  }
0xb8: {  	[dreg:$0x6] =	wrdreg $0x9  }
0xb9: {  	_ =	task.clear_ibuf [dreg:s8], $0x7FFFF;
	_ =	strace $0x90000046  }
0xba: {  	s29 =	simm.s32 $0x9;
	_ =	strace $0x80000048  }
0xbb: {  	_ =	swait.ge [sflag:s29], $0x1  }
0xbc: {  	[sflag:s29] =	ssyncadd.s32 $0xFFFFFFFF  }
0xbd: {  	_ =	strace $0x90000048  }
0xbe: {  	_ =	sfence  }
0xbf: {  	s30 =	sld [smem:$0x0];
	_ =	sdelay $0x2  }
0xc0: {  	s31 =	sshll.u32 s1, $0xD;
	s1 =	sshrl.u32 s1, $0x2  }
0xc1: {  	s3 =	sand.u32 $0x4000, s31;
	s1 =	sadd.s32 s1, s30  }
0xc2: {  	s0 =	sor.u32 s3, s0;
	s1 =	sshll.u32 s1, $0x11  }
0xc3: {  	s0 =	sor.u32 s1, s0  }
0xc4: {  	s0 =	sadd.s32 $0x8F2B, s0  }
0xc5: {  	[sflag:s0] =	ssyncadd.remote.s32 $0x1  }
0xc6: {  	_ =	sfence.sel $0xFFFF  }
0xc7: {  	[dreg:$0x0] =	wrdreg $0xFFFFFFFF;
	(pc) =	sbr.abs _section_cstart, $3  }
0xc8: {  	[dreg:$0x1] =	wrdreg $0xFFFFFFFF  }
0xc9: {  	_ =	task.clear_ibuf [dreg:s8], $0x2FFFF;
	_ =	strace $0x9FFFFFFF  }
0xca: {  	(tm) =	ssettm $0x7FFFFFFF  }
0xcb: {  	_ =	shalt  }
tec
execute0_lowered:
.L_overlay_start_1:
0x0: {  	(tag) =	ssettag $0x1  }
0x1: {  	s4 =	rddreg [dreg:$0x0]  }
0x2: {  	s0 =	rddreg [dreg:$0x1]  }
0x3: {  	s1 =	srdreg.scid;
	s6 =	stileid.u32  }
0x4: {  	s12 =	rddreg [dreg:$0x2];
	s9 =	sand.u32 $0x1, s1;
	s30 =	sshll.u32 s6, $0x1  }
0x5: {  	s2 =	rddreg [dreg:$0x3];
	s10 =	sor.u32 s9, s30  }
0x6: {  	s3 =	simm.s32 $0x0;
	s1 =	rddreg [dreg:$0x4];
	s5 =	smul.u32 $0x62, s10  }
0x7: {  	[smem:$0x7FF] =	sst s3  }
0x8: {  	_ =	strace $0x80000047;
	s5 =	sadd.s32 s4, s5;
	s4 =	simm.s32 $0x2  }
0x9: {  	[tilespmem:s3], [sflag:$0x2] =	stream.linear.gather [hbm4b:s5+s3], $0x310, $0x38;
	[tilespmem:$0x1AB80] =	vst v63  }
0xa: {  	s11 =	simm.s32 $0x1;
	p0 =	sne.s32 s6, $0x0;
	_ =	swait.ge [sflag:s4], $0x310  }
0xb: {  	s6 =	sshrl.u32 @!p0 s2, $0x3;
	s7 =	simm.s32 @!p0 $0x1C02;
	[sflag:s4] =	ssyncset.done $0x0  }
0xc: {  	s8 =	simm.s32 @!p0 $0x2;
	s14 =	ssub.s32 $0x2, s9;
	[sflag:s4] =	ssyncadd.s32 $0xFFFFFCF0  }
0xd: {  	[spmem:s6], [sflag:s7] =	dma.local @!p0 [hbm:s0], $0x4000  }
0xe: {  	s9 =	simm.s32 $0x310;
	s15 =	sshrl.u32 s14, $0x1;
	_ =	swait.ge @!p0 [sflag:s8], $0x4000  }
0xf: {  	s13 =	smul.u32 $0x3100, s10;
	s14 =	ssub.s32 s14, s15;
	[sflag:s8] =	ssyncset.done @!p0 $0x0  }
0x10: {  	s10 =	simm.s32 $0x380;
	s31 =	smax.u32 s14, $0x1;
	[sflag:s8] =	ssyncadd.s32 @!p0 $0xFFFFC000  }
0x11: {  	s12 =	sadd.s32 s13, s12;
	s13 =	sadd.s32 $0xFFFFFFFF, s31;
	[bflag:$0x0] =	sbarrier.arrive $0xFFFF  }
0x12: {  	[tilespmem:s10], [sflag:$0x1] =	stream.indirect.gather [spmem:s2], $0x80, s3, s9, $0xb8;
	[tilespmem:$0x1AB80] =	vst v63  }
0x13: {  	p1 =	sne.s32 s13, $0x0;
	_ =	swait.ge [sflag:s11], $0x18800  }
.Ltmp0:
0x14: {  	[sflag:s11] =	ssyncset.done $0x0;
	(pc) =	sbr.rel @!p1 .LBB2_2-.Ltmp0, $4  }
0x15: {  	s12 =	sadd.s32 $0x1400, s12;
	[sflag:s11] =	ssyncadd.s32 $0xFFFE7800  }
0x16: {  	[hbm4b:s12+s3] =	stream.linear.scatter [tilespmem:s10], [sflag:$0x2], $0x18800, $0x38;
	[tilespmem:$0x1AB80] =	vst v63  }
0x17: {  	_ =	swait.ge [sflag:s4], $0x18800  }
0x18: {  	[sflag:s4] =	ssyncset.done $0x0  }
.LBB2_1:
0x19: {  	s13 =	sadd.s32 $0xFFFFFFFF, s13;
	[sflag:s4] =	ssyncadd.s32 $0xFFFE7800  }
0x1a: {  	[tilespmem:s3], [sflag:$0x2] =	stream.linear.gather [hbm4b:s5+s3], $0x310, $0x38;
	[tilespmem:$0x1AB80] =	vst v63  }
0x1b: {  	p1 =	sne.s32 s13, $0x0;
	_ =	swait.ge [sflag:s4], $0x310  }
0x1c: {  	[sflag:s4] =	ssyncset.done $0x0  }
0x1d: {  	[sflag:s4] =	ssyncadd.s32 $0xFFFFFCF0  }
0x1e: {  	[spmem:s6], [sflag:s7] =	dma.local @!p0 [hbm:s0], $0x4000  }
0x1f: {  	_ =	swait.ge @!p0 [sflag:s8], $0x4000  }
0x20: {  	[sflag:s8] =	ssyncset.done @!p0 $0x0  }
0x21: {  	[sflag:s8] =	ssyncadd.s32 @!p0 $0xFFFFC000  }
0x22: {  	[bflag:$0x0] =	sbarrier.arrive $0xFFFF  }
0x23: {  	[tilespmem:s10], [sflag:$0x1] =	stream.indirect.gather [spmem:s2], $0x80, s3, s9, $0xb8;
	[tilespmem:$0x1AB80] =	vst v63  }
0x24: {  	_ =	swait.ge [sflag:s11], $0x18800  }
.Ltmp1:
0x25: {  	[sflag:s11] =	ssyncset.done $0x0;
	(pc) =	sbr.rel @p1 .LBB2_1-.Ltmp1, $4  }
0x26: {  	[sflag:s11] =	ssyncadd.s32 $0xFFFE7800  }
0x27: {  	[hbm4b:s12+s3] =	stream.linear.scatter [tilespmem:s10], [sflag:$0x2], $0x18800, $0x38;
	[tilespmem:$0x1AB80] =	vst v63  }
0x28: {  	_ =	swait.ge [sflag:s4], $0x18800  }
0x29: {  	[sflag:s4] =	ssyncset.done $0x0  }
.LBB2_2:
0x2a: {  	[sflag:s4] =	ssyncadd.s32 $0xFFFE7800  }
0x2b: {  	_ =	sfence.sel $0x180000  }
0x2c: {  	[bflag:$0x0] =	sbarrier.arrive $0xFFFF  }
0x2d: {  	_ =	strace $0x90000047  }
0x2e: {  	s0 =	sadd.s32 @!p0 $0x100000, s1;
	[bflag:$0x2] =	sbarrier.arrive $0xFFFF  }
0x2f: {  	[sflag:s0] =	ssyncadd.tile.s32 @!p0 $0x1;
	_ =	shalt  }
.Lfunc_end2:
_tile_overlayer_lowered:
.L_overlay_start_2:
0x30: {  	(tag) =	ssettag $0x2  }
0x31: {  	s0 =	rddreg [dreg:$0x0];
	s2 =	stileid.u32  }
0x32: {  	s1 =	rddreg [dreg:$0x1];
	p0 =	sne.s32 s2, $0x0  }
0x33: {  	s3 =	rddreg [dreg:$0x2];
	[bflag:$0x3] =	sbarrier.arrive $0xFFFF;
	s2 =	simm.s32 @!p0 $0x1C02  }
0x34: {  	[timem:s3], [sflag:s2] =	dma.local @!p0 [hbm:s0], s1  }
0x35: {  	s0 =	simm.s32 @!p0 $0x2  }
0x36: {  	_ =	swait.ge @!p0 [sflag:s0], s1  }
0x37: {  	s1 =	ssub.s32 @!p0 $0x0, s1;
	[sflag:s0] =	ssyncset.done @!p0 $0x0  }
0x38: {  	[sflag:s0] =	ssyncadd.s32 @!p0 s1  }
0x39: {  	[bflag:$0x3] =	sbarrier.arrive $0xFFFF  }
0x3a: {  	_ =	shalt  }

</sc_bundles>
